<compile_context>
chip_gen: v7x
topology: tpu7x:2x2x1
jax: 0.10.2.dev20260603
libtpu: 0.0.44.dev20260713+nightly
codegen_flags: <defaults>
</compile_context>

<pallas_src>
import functools
import math

import jax
import jax.numpy as jnp
from jax import lax
from jax.experimental import pallas as pl
from jax.experimental.pallas import tpu as pltpu
from jax.experimental.pallas import tpu_sc as plsc

B = 4096
D = 512
NUM_CLASSES = 100000
M = 0.1
S = 1.0
EPSILON = 0.1

LOG2E = 1.4426950408889634
CS = S * LOG2E

ROW_TILE = 1024
CNT_TILE = 512


def _counts_kernel(lbl_row_ref, invc_ref, k_ref, lblc_ref):
    j = pl.program_id(0)

    @pl.when(j == 0)
    def _():
        lblc_ref[...] = lbl_row_ref[...].reshape(B, 1)

    eq = jnp.where(lblc_ref[...] == lbl_row_ref[0:1, pl.ds(j * CNT_TILE,
                                                           CNT_TILE)], 1.0,
                   0.0)
    invc = 1.0 / jnp.sum(eq, axis=0, keepdims=True)
    invc_ref[...] = invc
    kp = jnp.sum(invc, keepdims=True).reshape(1, 1)

    @pl.when(j == 0)
    def _():
        k_ref[...] = kp

    @pl.when(j != 0)
    def _():
        k_ref[...] += kp


def _loss_kernel(x_ref, cn_ref, invc_ref, k_ref, out_ref, cnbf_ref, v_ref):
    i = pl.program_id(0)

    @pl.when(i == 0)
    def _():
        c = cn_ref[...]
        rn = 1.0 / jnp.sqrt(jnp.sum(c * c, axis=1, keepdims=True))
        cnbf = (c * rn).astype(jnp.bfloat16)
        cnbf_ref[...] = cnbf
        v_ref[...] = jax.lax.dot_general(
            invc_ref[...].astype(jnp.bfloat16), cnbf,
            (((1,), (0,)), ((), ())),
            preferred_element_type=jnp.float32)

    k = k_ref[...]
    inv_c = invc_ref[...]

    xt = x_ref[...]
    rs = 1.0 / jnp.maximum(jnp.sqrt(jnp.sum(xt * xt, axis=1, keepdims=True)),
                           1e-12)
    xs = xt * (rs * CS)

    cnt = cnbf_ref[pl.ds(i * ROW_TILE, ROW_TILE), :].astype(jnp.float32)
    t = jnp.sum(xs * cnt, axis=1, keepdims=True) * (1.0 / CS)
    t = jnp.clip(t, -1.0, 1.0)
    tm = t * math.cos(M) - jnp.sqrt(jnp.maximum(1.0 - t * t, 0.0)) * math.sin(M)

    a2 = jax.lax.dot_general(xs.astype(jnp.bfloat16), cnbf_ref[...],
                             (((1,), (1,)), ((), ())),
                             preferred_element_type=jnp.float32)
    sumexp = jnp.sum(jnp.exp2(a2) * inv_c, axis=1, keepdims=True)
    sumw = jnp.sum(xs * v_ref[...], axis=1, keepdims=True) * (S / CS)

    z = sumexp - jnp.exp2(CS * t) + jnp.exp2(CS * tm)
    sw = sumw - S * t + S * tm
    logz = jnp.log(z)

    row_loss = (-(1.0 - EPSILON) * (S * tm - logz)
                - (EPSILON / NUM_CLASSES) * (sw - k * logz))
    partial = jnp.sum(row_loss, keepdims=True).reshape(1, 1) * (1.0 / B)

    @pl.when(i == 0)
    def _():
        out_ref[...] = partial

    @pl.when(i != 0)
    def _():
        out_ref[...] += partial


def _sc_gather(labels, W):
    info = plsc.get_sparse_core_info()
    nw = info.num_cores * info.num_subcores
    b_per_w = B // nw
    mesh = plsc.VectorSubcoreMesh(core_axis_name="c", subcore_axis_name="s")

    nchunk = 8
    rows_per_chunk = b_per_w // nchunk

    @functools.partial(
        pl.kernel, mesh=mesh,
        out_type=jax.ShapeDtypeStruct((B, D), jnp.float32),
        scratch_types=(
            [pltpu.VMEM((b_per_w,), jnp.int32)]
            + [pltpu.VMEM((rows_per_chunk, D), jnp.float32)] * nchunk
            + [pltpu.SemaphoreType.DMA] * (2 * nchunk)
        ),
    )
    def gather(table_hbm, idx_hbm, out_hbm, idx_v, *bufs_and_sems):
        bufs = bufs_and_sems[:nchunk]
        gsems = bufs_and_sems[nchunk:2 * nchunk]
        wsems = bufs_and_sems[2 * nchunk:]
        wid = lax.axis_index("s") * info.num_cores + lax.axis_index("c")
        base = wid * b_per_w
        pltpu.sync_copy(idx_hbm.at[pl.ds(base, b_per_w)], idx_v)
        gets = []
        for b in range(nchunk):
            gets.append(pltpu.async_copy(
                table_hbm.at[idx_v.at[pl.ds(b * rows_per_chunk,
                                            rows_per_chunk)]],
                bufs[b], gsems[b]))
        puts = []
        for b in range(nchunk):
            gets[b].wait()
            puts.append(pltpu.async_copy(
                bufs[b],
                out_hbm.at[pl.ds(base + b * rows_per_chunk, rows_per_chunk)],
                wsems[b]))
        for b in range(nchunk):
            puts[b].wait()

    return gather(W, labels)


def kernel(x, labels, W):
    cn = _sc_gather(labels, W)

    lbl_row = labels.reshape(1, B)
    invc, kk = pl.pallas_call(
        _counts_kernel,
        grid=(B // CNT_TILE,),
        in_specs=[
            pl.BlockSpec((1, B), lambda j: (0, 0)),
        ],
        out_specs=[
            pl.BlockSpec((1, CNT_TILE), lambda j: (0, j)),
            pl.BlockSpec((1, 1), lambda j: (0, 0)),
        ],
        out_shape=[jax.ShapeDtypeStruct((1, B), jnp.float32),
                   jax.ShapeDtypeStruct((1, 1), jnp.float32)],
        scratch_shapes=[pltpu.VMEM((B, 1), jnp.int32)],
    )(lbl_row)

    out = pl.pallas_call(
        _loss_kernel,
        grid=(B // ROW_TILE,),
        in_specs=[
            pl.BlockSpec((ROW_TILE, D), lambda i: (i, 0)),
            pl.BlockSpec((B, D), lambda i: (0, 0)),
            pl.BlockSpec((1, B), lambda i: (0, 0)),
            pl.BlockSpec((1, 1), lambda i: (0, 0)),
        ],
        out_specs=pl.BlockSpec((1, 1), lambda i: (0, 0)),
        out_shape=jax.ShapeDtypeStruct((1, 1), jnp.float32),
        scratch_shapes=[pltpu.VMEM((B, D), jnp.bfloat16),
                        pltpu.VMEM((1, D), jnp.float32)],
    )(x, cn, invc, kk)
    return out[0, 0]

# --- scband reference (transcript-rebuilt; emitter-appended) ---
"""Pipeline reference for scband-arc-face-loss-4286377361898 (READ-ONLY COPY).

The authoritative reference and input builder live on the scoring server;
editing this copy changes nothing except your own understanding.
"""

import jax, jax.numpy as jnp
import numpy as np
import math

B = 4096
D = 512
NUM_CLASSES = 100000
M = 0.1
S = 1.0
EPSILON = 0.1


def setup_inputs(seed: int = 0) -> dict:
    key = jax.random.key(seed)
    k1, k2, k3 = jax.random.split(key, 3)
    x = jax.random.normal(k1, (B, D), dtype=jnp.float32)
    labels = jax.random.randint(k2, (B,), 0, NUM_CLASSES, dtype=jnp.int32)
    bound = 1.0 / math.sqrt(D)
    W = jax.random.uniform(k3, (NUM_CLASSES, D), minval=-bound, maxval=bound, dtype=jnp.float32)
    return {"x": x, "labels": labels, "W": W}


def _partial_sample_np(labels_np):
    # first-appearance-order unique labels (faithful to the torch loop)
    _, first_idx = np.unique(labels_np, return_index=True)
    order = np.sort(first_idx)
    centers_idxs = labels_np[order]
    pos = {int(v): i for i, v in enumerate(centers_idxs)}
    new_labels = np.array([pos[int(v)] for v in labels_np], dtype=np.int32)
    return centers_idxs.astype(np.int32), new_labels


def reference(x, labels, W):
    n = labels.shape[0]
    pos = jnp.arange(n)
    eq = labels[:, None] == labels[None, :]
    first_idx = jnp.argmax(eq, axis=1)
    is_first = first_idx == pos
    cum = jnp.cumsum(is_first.astype(jnp.int32))
    new_labels = cum[first_idx] - 1
    k = cum[-1]
    scatter_pos = jnp.where(is_first, cum - 1, n)
    centers_idxs = jnp.zeros((n,), dtype=labels.dtype).at[scatter_pos].set(labels, mode="drop")
    valid_col = pos < k

    choosed_centers = jnp.take(W, centers_idxs, axis=0)
    # torch: in-place div_ under no_grad -> value normalized, grad identity
    norm = jnp.linalg.norm(choosed_centers, axis=1, keepdims=True)
    choosed_centers = choosed_centers + jax.lax.stop_gradient(choosed_centers / norm - choosed_centers)

    xn = x / jnp.maximum(jnp.linalg.norm(x, axis=1, keepdims=True), 1e-12)
    cos_angle = jnp.matmul(xn, choosed_centers.T)
    cos_angle = jnp.clip(cos_angle, -1.0, 1.0)

    rows = jnp.arange(cos_angle.shape[0])
    tgt = cos_angle[rows, new_labels]
    delta = jax.lax.stop_gradient(jnp.cos(jnp.arccos(tgt) + M) - tgt)
    cos_angle = cos_angle.at[rows, new_labels].add(delta)

    cos_angle = jnp.where(valid_col[None, :], cos_angle, -jnp.inf)
    weighted = S * cos_angle
    log_probs = jax.nn.log_softmax(weighted, axis=1)
    onehot = jax.nn.one_hot(new_labels, weighted.shape[1], dtype=log_probs.dtype)
    targets = jnp.where(valid_col[None, :], (1.0 - EPSILON) * onehot + EPSILON / NUM_CLASSES, 0.0)
    per_elem = jnp.where(valid_col[None, :], -targets * log_probs, 0.0)
    loss = per_elem.mean(0).sum()
    return loss

if __name__ == "__main__":
    import jax
    _d = setup_inputs()
    print(jax.jit(kernel)(*tuple(_d.values())))

</pallas_src>

<mosaic_0001>
#map = affine_map<(d0, d1) -> (0, 0)>
#map1 = affine_map<(d0, d1) -> (0)>
module attributes {stable_mosaic.version = 14 : i64} {
  func.func @gather(%arg0: i32, %arg1: i32, %arg2: memref<100000x512xf32, #tpu.memory_space<hbm>>, %arg3: memref<4096xi32, #tpu.memory_space<hbm>>, %arg4: memref<4096x512xf32, #tpu.memory_space<hbm>>, %arg5: memref<128xi32, #tpu.memory_space<vmem>>, %arg6: memref<16x512xf32, #tpu.memory_space<vmem>>, %arg7: memref<16x512xf32, #tpu.memory_space<vmem>>, %arg8: memref<16x512xf32, #tpu.memory_space<vmem>>, %arg9: memref<16x512xf32, #tpu.memory_space<vmem>>, %arg10: memref<16x512xf32, #tpu.memory_space<vmem>>, %arg11: memref<16x512xf32, #tpu.memory_space<vmem>>, %arg12: memref<16x512xf32, #tpu.memory_space<vmem>>, %arg13: memref<16x512xf32, #tpu.memory_space<vmem>>, %arg14: memref<!tpu.dma_semaphore, #tpu.memory_space<semaphore_mem>>, %arg15: memref<!tpu.dma_semaphore, #tpu.memory_space<semaphore_mem>>, %arg16: memref<!tpu.dma_semaphore, #tpu.memory_space<semaphore_mem>>, %arg17: memref<!tpu.dma_semaphore, #tpu.memory_space<semaphore_mem>>, %arg18: memref<!tpu.dma_semaphore, #tpu.memory_space<semaphore_mem>>, %arg19: memref<!tpu.dma_semaphore, #tpu.memory_space<semaphore_mem>>, %arg20: memref<!tpu.dma_semaphore, #tpu.memory_space<semaphore_mem>>, %arg21: memref<!tpu.dma_semaphore, #tpu.memory_space<semaphore_mem>>, %arg22: memref<!tpu.dma_semaphore, #tpu.memory_space<semaphore_mem>>, %arg23: memref<!tpu.dma_semaphore, #tpu.memory_space<semaphore_mem>>, %arg24: memref<!tpu.dma_semaphore, #tpu.memory_space<semaphore_mem>>, %arg25: memref<!tpu.dma_semaphore, #tpu.memory_space<semaphore_mem>>, %arg26: memref<!tpu.dma_semaphore, #tpu.memory_space<semaphore_mem>>, %arg27: memref<!tpu.dma_semaphore, #tpu.memory_space<semaphore_mem>>, %arg28: memref<!tpu.dma_semaphore, #tpu.memory_space<semaphore_mem>>, %arg29: memref<!tpu.dma_semaphore, #tpu.memory_space<semaphore_mem>>) attributes {dimension_semantics = [#tpu.dimension_semantics<core_parallel>, #tpu.dimension_semantics<subcore_parallel>], iteration_bounds = array<i64: 2, 16>, scalar_prefetch = 0 : i64, scratch_operands = 25 : i64, tpu.core_type = #tpu.core_type<sc_vector_subcore>, window_params = [{transform_indices = #map}, {transform_indices = #map1}, {transform_indices = #map}]} {
    %mul3A = arith.constant 2 : i32
    %mul3A_0 = arith.muli %arg1, %mul3A : i32
    %add3A = arith.addi %mul3A_0, %arg0 : i32
    %mul3A_1 = arith.constant 128 : i32
    %mul3A_2 = arith.muli %add3A, %mul3A_1 : i32
    "tpu.region"() ({
      %run_scoped3A = tpu.sem_alloc : memref<!tpu.dma_semaphore, #tpu.memory_space<semaphore_mem>>
      %dma_start3A_161 = tpu.memref_slice %arg3[%mul3A_2] : memref<4096xi32, #tpu.memory_space<hbm>> -> memref<128xi32, #tpu.memory_space<hbm>>
      %dma_start3A_162 = tpu.memref_slice %arg3[%mul3A_2] : memref<4096xi32, #tpu.memory_space<hbm>> -> memref<128xi32, #tpu.memory_space<hbm>>
      tpu.enqueue_dma source(%dma_start3A_162 : memref<128xi32, #tpu.memory_space<hbm>>) target(%arg5 : memref<128xi32, #tpu.memory_space<vmem>>) target_semaphore(%run_scoped3A : memref<!tpu.dma_semaphore, #tpu.memory_space<semaphore_mem>>)
      %dma_wait3A_163 = tpu.memref_slice %arg3[%mul3A_2] : memref<4096xi32, #tpu.memory_space<hbm>> -> memref<128xi32, #tpu.memory_space<hbm>>
      %dma_wait3A_164 = tpu.memref_slice %arg3[%mul3A_2] : memref<4096xi32, #tpu.memory_space<hbm>> -> memref<128xi32, #tpu.memory_space<hbm>>
      tpu.wait_dma2 semaphore(%run_scoped3A : memref<!tpu.dma_semaphore, #tpu.memory_space<semaphore_mem>>) src(%dma_wait3A_164 : memref<128xi32, #tpu.memory_space<hbm>>) dst(%arg5 : memref<128xi32, #tpu.memory_space<vmem>>)
      tpu.yield
    }) : () -> ()
    %dma_start3A = arith.constant 0 : i32
    %dma_start3A_3 = tpu.memref_slice %arg5[%dma_start3A] : memref<128xi32, #tpu.memory_space<vmem>> -> memref<16xi32, #tpu.memory_space<vmem>>
    %dma_start3A_4 = arith.constant 0 : i32
    %dma_start3A_5 = arith.constant 0 : i32
    %dma_start3A_6 = tpu.memref_slice %arg2[%dma_start3A_4, %dma_start3A_5] : memref<100000x512xf32, #tpu.memory_space<hbm>> -> memref<100000x512xf32, #tpu.memory_space<hbm>>
    tpu.enqueue_indirect_dma source(%dma_start3A_6 : memref<100000x512xf32, #tpu.memory_space<hbm>>) target(%arg6 : memref<16x512xf32, #tpu.memory_space<vmem>>) offsets(%dma_start3A_3 : memref<16xi32, #tpu.memory_space<vmem>>) semaphore(%arg14 : memref<!tpu.dma_semaphore, #tpu.memory_space<semaphore_mem>>)
    %dma_start3A_7 = arith.constant 16 : i32
    %dma_start3A_8 = tpu.memref_slice %arg5[%dma_start3A_7] : memref<128xi32, #tpu.memory_space<vmem>> -> memref<16xi32, #tpu.memory_space<vmem>>
    %dma_start3A_9 = arith.constant 0 : i32
    %dma_start3A_10 = arith.constant 0 : i32
    %dma_start3A_11 = tpu.memref_slice %arg2[%dma_start3A_9, %dma_start3A_10] : memref<100000x512xf32, #tpu.memory_space<hbm>> -> memref<100000x512xf32, #tpu.memory_space<hbm>>
    tpu.enqueue_indirect_dma source(%dma_start3A_11 : memref<100000x512xf32, #tpu.memory_space<hbm>>) target(%arg7 : memref<16x512xf32, #tpu.memory_space<vmem>>) offsets(%dma_start3A_8 : memref<16xi32, #tpu.memory_space<vmem>>) semaphore(%arg15 : memref<!tpu.dma_semaphore, #tpu.memory_space<semaphore_mem>>)
    %dma_start3A_12 = arith.constant 32 : i32
    %dma_start3A_13 = tpu.memref_slice %arg5[%dma_start3A_12] : memref<128xi32, #tpu.memory_space<vmem>> -> memref<16xi32, #tpu.memory_space<vmem>>
    %dma_start3A_14 = arith.constant 0 : i32
    %dma_start3A_15 = arith.constant 0 : i32
    %dma_start3A_16 = tpu.memref_slice %arg2[%dma_start3A_14, %dma_start3A_15] : memref<100000x512xf32, #tpu.memory_space<hbm>> -> memref<100000x512xf32, #tpu.memory_space<hbm>>
    tpu.enqueue_indirect_dma source(%dma_start3A_16 : memref<100000x512xf32, #tpu.memory_space<hbm>>) target(%arg8 : memref<16x512xf32, #tpu.memory_space<vmem>>) offsets(%dma_start3A_13 : memref<16xi32, #tpu.memory_space<vmem>>) semaphore(%arg16 : memref<!tpu.dma_semaphore, #tpu.memory_space<semaphore_mem>>)
    %dma_start3A_17 = arith.constant 48 : i32
    %dma_start3A_18 = tpu.memref_slice %arg5[%dma_start3A_17] : memref<128xi32, #tpu.memory_space<vmem>> -> memref<16xi32, #tpu.memory_space<vmem>>
    %dma_start3A_19 = arith.constant 0 : i32
    %dma_start3A_20 = arith.constant 0 : i32
    %dma_start3A_21 = tpu.memref_slice %arg2[%dma_start3A_19, %dma_start3A_20] : memref<100000x512xf32, #tpu.memory_space<hbm>> -> memref<100000x512xf32, #tpu.memory_space<hbm>>
    tpu.enqueue_indirect_dma source(%dma_start3A_21 : memref<100000x512xf32, #tpu.memory_space<hbm>>) target(%arg9 : memref<16x512xf32, #tpu.memory_space<vmem>>) offsets(%dma_start3A_18 : memref<16xi32, #tpu.memory_space<vmem>>) semaphore(%arg17 : memref<!tpu.dma_semaphore, #tpu.memory_space<semaphore_mem>>)
    %dma_start3A_22 = arith.constant 64 : i32
    %dma_start3A_23 = tpu.memref_slice %arg5[%dma_start3A_22] : memref<128xi32, #tpu.memory_space<vmem>> -> memref<16xi32, #tpu.memory_space<vmem>>
    %dma_start3A_24 = arith.constant 0 : i32
    %dma_start3A_25 = arith.constant 0 : i32
    %dma_start3A_26 = tpu.memref_slice %arg2[%dma_start3A_24, %dma_start3A_25] : memref<100000x512xf32, #tpu.memory_space<hbm>> -> memref<100000x512xf32, #tpu.memory_space<hbm>>
    tpu.enqueue_indirect_dma source(%dma_start3A_26 : memref<100000x512xf32, #tpu.memory_space<hbm>>) target(%arg10 : memref<16x512xf32, #tpu.memory_space<vmem>>) offsets(%dma_start3A_23 : memref<16xi32, #tpu.memory_space<vmem>>) semaphore(%arg18 : memref<!tpu.dma_semaphore, #tpu.memory_space<semaphore_mem>>)
    %dma_start3A_27 = arith.constant 80 : i32
    %dma_start3A_28 = tpu.memref_slice %arg5[%dma_start3A_27] : memref<128xi32, #tpu.memory_space<vmem>> -> memref<16xi32, #tpu.memory_space<vmem>>
    %dma_start3A_29 = arith.constant 0 : i32
    %dma_start3A_30 = arith.constant 0 : i32
    %dma_start3A_31 = tpu.memref_slice %arg2[%dma_start3A_29, %dma_start3A_30] : memref<100000x512xf32, #tpu.memory_space<hbm>> -> memref<100000x512xf32, #tpu.memory_space<hbm>>
    tpu.enqueue_indirect_dma source(%dma_start3A_31 : memref<100000x512xf32, #tpu.memory_space<hbm>>) target(%arg11 : memref<16x512xf32, #tpu.memory_space<vmem>>) offsets(%dma_start3A_28 : memref<16xi32, #tpu.memory_space<vmem>>) semaphore(%arg19 : memref<!tpu.dma_semaphore, #tpu.memory_space<semaphore_mem>>)
    %dma_start3A_32 = arith.constant 96 : i32
    %dma_start3A_33 = tpu.memref_slice %arg5[%dma_start3A_32] : memref<128xi32, #tpu.memory_space<vmem>> -> memref<16xi32, #tpu.memory_space<vmem>>
    %dma_start3A_34 = arith.constant 0 : i32
    %dma_start3A_35 = arith.constant 0 : i32
    %dma_start3A_36 = tpu.memref_slice %arg2[%dma_start3A_34, %dma_start3A_35] : memref<100000x512xf32, #tpu.memory_space<hbm>> -> memref<100000x512xf32, #tpu.memory_space<hbm>>
    tpu.enqueue_indirect_dma source(%dma_start3A_36 : memref<100000x512xf32, #tpu.memory_space<hbm>>) target(%arg12 : memref<16x512xf32, #tpu.memory_space<vmem>>) offsets(%dma_start3A_33 : memref<16xi32, #tpu.memory_space<vmem>>) semaphore(%arg20 : memref<!tpu.dma_semaphore, #tpu.memory_space<semaphore_mem>>)
    %dma_start3A_37 = arith.constant 112 : i32
    %dma_start3A_38 = tpu.memref_slice %arg5[%dma_start3A_37] : memref<128xi32, #tpu.memory_space<vmem>> -> memref<16xi32, #tpu.memory_space<vmem>>
    %dma_start3A_39 = arith.constant 0 : i32
    %dma_start3A_40 = arith.constant 0 : i32
    %dma_start3A_41 = tpu.memref_slice %arg2[%dma_start3A_39, %dma_start3A_40] : memref<100000x512xf32, #tpu.memory_space<hbm>> -> memref<100000x512xf32, #tpu.memory_space<hbm>>
    tpu.enqueue_indirect_dma source(%dma_start3A_41 : memref<100000x512xf32, #tpu.memory_space<hbm>>) target(%arg13 : memref<16x512xf32, #tpu.memory_space<vmem>>) offsets(%dma_start3A_38 : memref<16xi32, #tpu.memory_space<vmem>>) semaphore(%arg21 : memref<!tpu.dma_semaphore, #tpu.memory_space<semaphore_mem>>)
    %dma_wait3A = arith.constant 0 : i32
    %dma_wait3A_42 = tpu.memref_slice %arg5[%dma_wait3A] : memref<128xi32, #tpu.memory_space<vmem>> -> memref<16xi32, #tpu.memory_space<vmem>>
    %dma_wait3A_43 = arith.constant 0 : i32
    %dma_wait3A_44 = arith.constant 0 : i32
    %dma_wait3A_45 = tpu.memref_slice %arg2[%dma_wait3A_43, %dma_wait3A_44] : memref<100000x512xf32, #tpu.memory_space<hbm>> -> memref<100000x512xf32, #tpu.memory_space<hbm>>
    tpu.wait_indirect_dma semaphore(%arg14 : memref<!tpu.dma_semaphore, #tpu.memory_space<semaphore_mem>>) src(%dma_wait3A_45 : memref<100000x512xf32, #tpu.memory_space<hbm>>) dst(%arg6 : memref<16x512xf32, #tpu.memory_space<vmem>>)
    %add3A_46 = arith.constant 0 : i32
    %add3A_47 = arith.addi %mul3A_2, %add3A_46 : i32
    %dma_start3A_48 = arith.constant 0 : i32
    %dma_start3A_49 = tpu.memref_slice %arg4[%add3A_47, %dma_start3A_48] : memref<4096x512xf32, #tpu.memory_space<hbm>> -> memref<16x512xf32, #tpu.memory_space<hbm>>
    %dma_start3A_50 = arith.constant 0 : i32
    %dma_start3A_51 = tpu.memref_slice %arg4[%add3A_47, %dma_start3A_50] : memref<4096x512xf32, #tpu.memory_space<hbm>> -> memref<16x512xf32, #tpu.memory_space<hbm>>
    tpu.enqueue_dma source(%arg6 : memref<16x512xf32, #tpu.memory_space<vmem>>) target(%dma_start3A_51 : memref<16x512xf32, #tpu.memory_space<hbm>>) target_semaphore(%arg22 : memref<!tpu.dma_semaphore, #tpu.memory_space<semaphore_mem>>)
    %dma_wait3A_52 = arith.constant 16 : i32
    %dma_wait3A_53 = tpu.memref_slice %arg5[%dma_wait3A_52] : memref<128xi32, #tpu.memory_space<vmem>> -> memref<16xi32, #tpu.memory_space<vmem>>
    %dma_wait3A_54 = arith.constant 0 : i32
    %dma_wait3A_55 = arith.constant 0 : i32
    %dma_wait3A_56 = tpu.memref_slice %arg2[%dma_wait3A_54, %dma_wait3A_55] : memref<100000x512xf32, #tpu.memory_space<hbm>> -> memref<100000x512xf32, #tpu.memory_space<hbm>>
    tpu.wait_indirect_dma semaphore(%arg15 : memref<!tpu.dma_semaphore, #tpu.memory_space<semaphore_mem>>) src(%dma_wait3A_56 : memref<100000x512xf32, #tpu.memory_space<hbm>>) dst(%arg7 : memref<16x512xf32, #tpu.memory_space<vmem>>)
    %add3A_57 = arith.constant 16 : i32
    %add3A_58 = arith.addi %mul3A_2, %add3A_57 : i32
    %dma_start3A_59 = arith.constant 0 : i32
    %dma_start3A_60 = tpu.memref_slice %arg4[%add3A_58, %dma_start3A_59] : memref<4096x512xf32, #tpu.memory_space<hbm>> -> memref<16x512xf32, #tpu.memory_space<hbm>>
    %dma_start3A_61 = arith.constant 0 : i32
    %dma_start3A_62 = tpu.memref_slice %arg4[%add3A_58, %dma_start3A_61] : memref<4096x512xf32, #tpu.memory_space<hbm>> -> memref<16x512xf32, #tpu.memory_space<hbm>>
    tpu.enqueue_dma source(%arg7 : memref<16x512xf32, #tpu.memory_space<vmem>>) target(%dma_start3A_62 : memref<16x512xf32, #tpu.memory_space<hbm>>) target_semaphore(%arg23 : memref<!tpu.dma_semaphore, #tpu.memory_space<semaphore_mem>>)
    %dma_wait3A_63 = arith.constant 32 : i32
    %dma_wait3A_64 = tpu.memref_slice %arg5[%dma_wait3A_63] : memref<128xi32, #tpu.memory_space<vmem>> -> memref<16xi32, #tpu.memory_space<vmem>>
    %dma_wait3A_65 = arith.constant 0 : i32
    %dma_wait3A_66 = arith.constant 0 : i32
    %dma_wait3A_67 = tpu.memref_slice %arg2[%dma_wait3A_65, %dma_wait3A_66] : memref<100000x512xf32, #tpu.memory_space<hbm>> -> memref<100000x512xf32, #tpu.memory_space<hbm>>
    tpu.wait_indirect_dma semaphore(%arg16 : memref<!tpu.dma_semaphore, #tpu.memory_space<semaphore_mem>>) src(%dma_wait3A_67 : memref<100000x512xf32, #tpu.memory_space<hbm>>) dst(%arg8 : memref<16x512xf32, #tpu.memory_space<vmem>>)
    %add3A_68 = arith.constant 32 : i32
    %add3A_69 = arith.addi %mul3A_2, %add3A_68 : i32
    %dma_start3A_70 = arith.constant 0 : i32
    %dma_start3A_71 = tpu.memref_slice %arg4[%add3A_69, %dma_start3A_70] : memref<4096x512xf32, #tpu.memory_space<hbm>> -> memref<16x512xf32, #tpu.memory_space<hbm>>
    %dma_start3A_72 = arith.constant 0 : i32
    %dma_start3A_73 = tpu.memref_slice %arg4[%add3A_69, %dma_start3A_72] : memref<4096x512xf32, #tpu.memory_space<hbm>> -> memref<16x512xf32, #tpu.memory_space<hbm>>
    tpu.enqueue_dma source(%arg8 : memref<16x512xf32, #tpu.memory_space<vmem>>) target(%dma_start3A_73 : memref<16x512xf32, #tpu.memory_space<hbm>>) target_semaphore(%arg24 : memref<!tpu.dma_semaphore, #tpu.memory_space<semaphore_mem>>)
    %dma_wait3A_74 = arith.constant 48 : i32
    %dma_wait3A_75 = tpu.memref_slice %arg5[%dma_wait3A_74] : memref<128xi32, #tpu.memory_space<vmem>> -> memref<16xi32, #tpu.memory_space<vmem>>
    %dma_wait3A_76 = arith.constant 0 : i32
    %dma_wait3A_77 = arith.constant 0 : i32
    %dma_wait3A_78 = tpu.memref_slice %arg2[%dma_wait3A_76, %dma_wait3A_77] : memref<100000x512xf32, #tpu.memory_space<hbm>> -> memref<100000x512xf32, #tpu.memory_space<hbm>>
    tpu.wait_indirect_dma semaphore(%arg17 : memref<!tpu.dma_semaphore, #tpu.memory_space<semaphore_mem>>) src(%dma_wait3A_78 : memref<100000x512xf32, #tpu.memory_space<hbm>>) dst(%arg9 : memref<16x512xf32, #tpu.memory_space<vmem>>)
    %add3A_79 = arith.constant 48 : i32
    %add3A_80 = arith.addi %mul3A_2, %add3A_79 : i32
    %dma_start3A_81 = arith.constant 0 : i32
    %dma_start3A_82 = tpu.memref_slice %arg4[%add3A_80, %dma_start3A_81] : memref<4096x512xf32, #tpu.memory_space<hbm>> -> memref<16x512xf32, #tpu.memory_space<hbm>>
    %dma_start3A_83 = arith.constant 0 : i32
    %dma_start3A_84 = tpu.memref_slice %arg4[%add3A_80, %dma_start3A_83] : memref<4096x512xf32, #tpu.memory_space<hbm>> -> memref<16x512xf32, #tpu.memory_space<hbm>>
    tpu.enqueue_dma source(%arg9 : memref<16x512xf32, #tpu.memory_space<vmem>>) target(%dma_start3A_84 : memref<16x512xf32, #tpu.memory_space<hbm>>) target_semaphore(%arg25 : memref<!tpu.dma_semaphore, #tpu.memory_space<semaphore_mem>>)
    %dma_wait3A_85 = arith.constant 64 : i32
    %dma_wait3A_86 = tpu.memref_slice %arg5[%dma_wait3A_85] : memref<128xi32, #tpu.memory_space<vmem>> -> memref<16xi32, #tpu.memory_space<vmem>>
    %dma_wait3A_87 = arith.constant 0 : i32
    %dma_wait3A_88 = arith.constant 0 : i32
    %dma_wait3A_89 = tpu.memref_slice %arg2[%dma_wait3A_87, %dma_wait3A_88] : memref<100000x512xf32, #tpu.memory_space<hbm>> -> memref<100000x512xf32, #tpu.memory_space<hbm>>
    tpu.wait_indirect_dma semaphore(%arg18 : memref<!tpu.dma_semaphore, #tpu.memory_space<semaphore_mem>>) src(%dma_wait3A_89 : memref<100000x512xf32, #tpu.memory_space<hbm>>) dst(%arg10 : memref<16x512xf32, #tpu.memory_space<vmem>>)
    %add3A_90 = arith.constant 64 : i32
    %add3A_91 = arith.addi %mul3A_2, %add3A_90 : i32
    %dma_start3A_92 = arith.constant 0 : i32
    %dma_start3A_93 = tpu.memref_slice %arg4[%add3A_91, %dma_start3A_92] : memref<4096x512xf32, #tpu.memory_space<hbm>> -> memref<16x512xf32, #tpu.memory_space<hbm>>
    %dma_start3A_94 = arith.constant 0 : i32
    %dma_start3A_95 = tpu.memref_slice %arg4[%add3A_91, %dma_start3A_94] : memref<4096x512xf32, #tpu.memory_space<hbm>> -> memref<16x512xf32, #tpu.memory_space<hbm>>
    tpu.enqueue_dma source(%arg10 : memref<16x512xf32, #tpu.memory_space<vmem>>) target(%dma_start3A_95 : memref<16x512xf32, #tpu.memory_space<hbm>>) target_semaphore(%arg26 : memref<!tpu.dma_semaphore, #tpu.memory_space<semaphore_mem>>)
    %dma_wait3A_96 = arith.constant 80 : i32
    %dma_wait3A_97 = tpu.memref_slice %arg5[%dma_wait3A_96] : memref<128xi32, #tpu.memory_space<vmem>> -> memref<16xi32, #tpu.memory_space<vmem>>
    %dma_wait3A_98 = arith.constant 0 : i32
    %dma_wait3A_99 = arith.constant 0 : i32
    %dma_wait3A_100 = tpu.memref_slice %arg2[%dma_wait3A_98, %dma_wait3A_99] : memref<100000x512xf32, #tpu.memory_space<hbm>> -> memref<100000x512xf32, #tpu.memory_space<hbm>>
    tpu.wait_indirect_dma semaphore(%arg19 : memref<!tpu.dma_semaphore, #tpu.memory_space<semaphore_mem>>) src(%dma_wait3A_100 : memref<100000x512xf32, #tpu.memory_space<hbm>>) dst(%arg11 : memref<16x512xf32, #tpu.memory_space<vmem>>)
    %add3A_101 = arith.constant 80 : i32
    %add3A_102 = arith.addi %mul3A_2, %add3A_101 : i32
    %dma_start3A_103 = arith.constant 0 : i32
    %dma_start3A_104 = tpu.memref_slice %arg4[%add3A_102, %dma_start3A_103] : memref<4096x512xf32, #tpu.memory_space<hbm>> -> memref<16x512xf32, #tpu.memory_space<hbm>>
    %dma_start3A_105 = arith.constant 0 : i32
    %dma_start3A_106 = tpu.memref_slice %arg4[%add3A_102, %dma_start3A_105] : memref<4096x512xf32, #tpu.memory_space<hbm>> -> memref<16x512xf32, #tpu.memory_space<hbm>>
    tpu.enqueue_dma source(%arg11 : memref<16x512xf32, #tpu.memory_space<vmem>>) target(%dma_start3A_106 : memref<16x512xf32, #tpu.memory_space<hbm>>) target_semaphore(%arg27 : memref<!tpu.dma_semaphore, #tpu.memory_space<semaphore_mem>>)
    %dma_wait3A_107 = arith.constant 96 : i32
    %dma_wait3A_108 = tpu.memref_slice %arg5[%dma_wait3A_107] : memref<128xi32, #tpu.memory_space<vmem>> -> memref<16xi32, #tpu.memory_space<vmem>>
    %dma_wait3A_109 = arith.constant 0 : i32
    %dma_wait3A_110 = arith.constant 0 : i32
    %dma_wait3A_111 = tpu.memref_slice %arg2[%dma_wait3A_109, %dma_wait3A_110] : memref<100000x512xf32, #tpu.memory_space<hbm>> -> memref<100000x512xf32, #tpu.memory_space<hbm>>
    tpu.wait_indirect_dma semaphore(%arg20 : memref<!tpu.dma_semaphore, #tpu.memory_space<semaphore_mem>>) src(%dma_wait3A_111 : memref<100000x512xf32, #tpu.memory_space<hbm>>) dst(%arg12 : memref<16x512xf32, #tpu.memory_space<vmem>>)
    %add3A_112 = arith.constant 96 : i32
    %add3A_113 = arith.addi %mul3A_2, %add3A_112 : i32
    %dma_start3A_114 = arith.constant 0 : i32
    %dma_start3A_115 = tpu.memref_slice %arg4[%add3A_113, %dma_start3A_114] : memref<4096x512xf32, #tpu.memory_space<hbm>> -> memref<16x512xf32, #tpu.memory_space<hbm>>
    %dma_start3A_116 = arith.constant 0 : i32
    %dma_start3A_117 = tpu.memref_slice %arg4[%add3A_113, %dma_start3A_116] : memref<4096x512xf32, #tpu.memory_space<hbm>> -> memref<16x512xf32, #tpu.memory_space<hbm>>
    tpu.enqueue_dma source(%arg12 : memref<16x512xf32, #tpu.memory_space<vmem>>) target(%dma_start3A_117 : memref<16x512xf32, #tpu.memory_space<hbm>>) target_semaphore(%arg28 : memref<!tpu.dma_semaphore, #tpu.memory_space<semaphore_mem>>)
    %dma_wait3A_118 = arith.constant 112 : i32
    %dma_wait3A_119 = tpu.memref_slice %arg5[%dma_wait3A_118] : memref<128xi32, #tpu.memory_space<vmem>> -> memref<16xi32, #tpu.memory_space<vmem>>
    %dma_wait3A_120 = arith.constant 0 : i32
    %dma_wait3A_121 = arith.constant 0 : i32
    %dma_wait3A_122 = tpu.memref_slice %arg2[%dma_wait3A_120, %dma_wait3A_121] : memref<100000x512xf32, #tpu.memory_space<hbm>> -> memref<100000x512xf32, #tpu.memory_space<hbm>>
    tpu.wait_indirect_dma semaphore(%arg21 : memref<!tpu.dma_semaphore, #tpu.memory_space<semaphore_mem>>) src(%dma_wait3A_122 : memref<100000x512xf32, #tpu.memory_space<hbm>>) dst(%arg13 : memref<16x512xf32, #tpu.memory_space<vmem>>)
    %add3A_123 = arith.constant 112 : i32
    %add3A_124 = arith.addi %mul3A_2, %add3A_123 : i32
    %dma_start3A_125 = arith.constant 0 : i32
    %dma_start3A_126 = tpu.memref_slice %arg4[%add3A_124, %dma_start3A_125] : memref<4096x512xf32, #tpu.memory_space<hbm>> -> memref<16x512xf32, #tpu.memory_space<hbm>>
    %dma_start3A_127 = arith.constant 0 : i32
    %dma_start3A_128 = tpu.memref_slice %arg4[%add3A_124, %dma_start3A_127] : memref<4096x512xf32, #tpu.memory_space<hbm>> -> memref<16x512xf32, #tpu.memory_space<hbm>>
    tpu.enqueue_dma source(%arg13 : memref<16x512xf32, #tpu.memory_space<vmem>>) target(%dma_start3A_128 : memref<16x512xf32, #tpu.memory_space<hbm>>) target_semaphore(%arg29 : memref<!tpu.dma_semaphore, #tpu.memory_space<semaphore_mem>>)
    %dma_wait3A_129 = arith.constant 0 : i32
    %dma_wait3A_130 = tpu.memref_slice %arg4[%add3A_47, %dma_wait3A_129] : memref<4096x512xf32, #tpu.memory_space<hbm>> -> memref<16x512xf32, #tpu.memory_space<hbm>>
    %dma_wait3A_131 = arith.constant 0 : i32
    %dma_wait3A_132 = tpu.memref_slice %arg4[%add3A_47, %dma_wait3A_131] : memref<4096x512xf32, #tpu.memory_space<hbm>> -> memref<16x512xf32, #tpu.memory_space<hbm>>
    tpu.wait_dma2 semaphore(%arg22 : memref<!tpu.dma_semaphore, #tpu.memory_space<semaphore_mem>>) src(%arg6 : memref<16x512xf32, #tpu.memory_space<vmem>>) dst(%dma_wait3A_132 : memref<16x512xf32, #tpu.memory_space<hbm>>)
    %dma_wait3A_133 = arith.constant 0 : i32
    %dma_wait3A_134 = tpu.memref_slice %arg4[%add3A_58, %dma_wait3A_133] : memref<4096x512xf32, #tpu.memory_space<hbm>> -> memref<16x512xf32, #tpu.memory_space<hbm>>
    %dma_wait3A_135 = arith.constant 0 : i32
    %dma_wait3A_136 = tpu.memref_slice %arg4[%add3A_58, %dma_wait3A_135] : memref<4096x512xf32, #tpu.memory_space<hbm>> -> memref<16x512xf32, #tpu.memory_space<hbm>>
    tpu.wait_dma2 semaphore(%arg23 : memref<!tpu.dma_semaphore, #tpu.memory_space<semaphore_mem>>) src(%arg7 : memref<16x512xf32, #tpu.memory_space<vmem>>) dst(%dma_wait3A_136 : memref<16x512xf32, #tpu.memory_space<hbm>>)
    %dma_wait3A_137 = arith.constant 0 : i32
    %dma_wait3A_138 = tpu.memref_slice %arg4[%add3A_69, %dma_wait3A_137] : memref<4096x512xf32, #tpu.memory_space<hbm>> -> memref<16x512xf32, #tpu.memory_space<hbm>>
    %dma_wait3A_139 = arith.constant 0 : i32
    %dma_wait3A_140 = tpu.memref_slice %arg4[%add3A_69, %dma_wait3A_139] : memref<4096x512xf32, #tpu.memory_space<hbm>> -> memref<16x512xf32, #tpu.memory_space<hbm>>
    tpu.wait_dma2 semaphore(%arg24 : memref<!tpu.dma_semaphore, #tpu.memory_space<semaphore_mem>>) src(%arg8 : memref<16x512xf32, #tpu.memory_space<vmem>>) dst(%dma_wait3A_140 : memref<16x512xf32, #tpu.memory_space<hbm>>)
    %dma_wait3A_141 = arith.constant 0 : i32
    %dma_wait3A_142 = tpu.memref_slice %arg4[%add3A_80, %dma_wait3A_141] : memref<4096x512xf32, #tpu.memory_space<hbm>> -> memref<16x512xf32, #tpu.memory_space<hbm>>
    %dma_wait3A_143 = arith.constant 0 : i32
    %dma_wait3A_144 = tpu.memref_slice %arg4[%add3A_80, %dma_wait3A_143] : memref<4096x512xf32, #tpu.memory_space<hbm>> -> memref<16x512xf32, #tpu.memory_space<hbm>>
    tpu.wait_dma2 semaphore(%arg25 : memref<!tpu.dma_semaphore, #tpu.memory_space<semaphore_mem>>) src(%arg9 : memref<16x512xf32, #tpu.memory_space<vmem>>) dst(%dma_wait3A_144 : memref<16x512xf32, #tpu.memory_space<hbm>>)
    %dma_wait3A_145 = arith.constant 0 : i32
    %dma_wait3A_146 = tpu.memref_slice %arg4[%add3A_91, %dma_wait3A_145] : memref<4096x512xf32, #tpu.memory_space<hbm>> -> memref<16x512xf32, #tpu.memory_space<hbm>>
    %dma_wait3A_147 = arith.constant 0 : i32
    %dma_wait3A_148 = tpu.memref_slice %arg4[%add3A_91, %dma_wait3A_147] : memref<4096x512xf32, #tpu.memory_space<hbm>> -> memref<16x512xf32, #tpu.memory_space<hbm>>
    tpu.wait_dma2 semaphore(%arg26 : memref<!tpu.dma_semaphore, #tpu.memory_space<semaphore_mem>>) src(%arg10 : memref<16x512xf32, #tpu.memory_space<vmem>>) dst(%dma_wait3A_148 : memref<16x512xf32, #tpu.memory_space<hbm>>)
    %dma_wait3A_149 = arith.constant 0 : i32
    %dma_wait3A_150 = tpu.memref_slice %arg4[%add3A_102, %dma_wait3A_149] : memref<4096x512xf32, #tpu.memory_space<hbm>> -> memref<16x512xf32, #tpu.memory_space<hbm>>
    %dma_wait3A_151 = arith.constant 0 : i32
    %dma_wait3A_152 = tpu.memref_slice %arg4[%add3A_102, %dma_wait3A_151] : memref<4096x512xf32, #tpu.memory_space<hbm>> -> memref<16x512xf32, #tpu.memory_space<hbm>>
    tpu.wait_dma2 semaphore(%arg27 : memref<!tpu.dma_semaphore, #tpu.memory_space<semaphore_mem>>) src(%arg11 : memref<16x512xf32, #tpu.memory_space<vmem>>) dst(%dma_wait3A_152 : memref<16x512xf32, #tpu.memory_space<hbm>>)
    %dma_wait3A_153 = arith.constant 0 : i32
    %dma_wait3A_154 = tpu.memref_slice %arg4[%add3A_113, %dma_wait3A_153] : memref<4096x512xf32, #tpu.memory_space<hbm>> -> memref<16x512xf32, #tpu.memory_space<hbm>>
    %dma_wait3A_155 = arith.constant 0 : i32
    %dma_wait3A_156 = tpu.memref_slice %arg4[%add3A_113, %dma_wait3A_155] : memref<4096x512xf32, #tpu.memory_space<hbm>> -> memref<16x512xf32, #tpu.memory_space<hbm>>
    tpu.wait_dma2 semaphore(%arg28 : memref<!tpu.dma_semaphore, #tpu.memory_space<semaphore_mem>>) src(%arg12 : memref<16x512xf32, #tpu.memory_space<vmem>>) dst(%dma_wait3A_156 : memref<16x512xf32, #tpu.memory_space<hbm>>)
    %dma_wait3A_157 = arith.constant 0 : i32
    %dma_wait3A_158 = tpu.memref_slice %arg4[%add3A_124, %dma_wait3A_157] : memref<4096x512xf32, #tpu.memory_space<hbm>> -> memref<16x512xf32, #tpu.memory_space<hbm>>
    %dma_wait3A_159 = arith.constant 0 : i32
    %dma_wait3A_160 = tpu.memref_slice %arg4[%add3A_124, %dma_wait3A_159] : memref<4096x512xf32, #tpu.memory_space<hbm>> -> memref<16x512xf32, #tpu.memory_space<hbm>>
    tpu.wait_dma2 semaphore(%arg29 : memref<!tpu.dma_semaphore, #tpu.memory_space<semaphore_mem>>) src(%arg13 : memref<16x512xf32, #tpu.memory_space<vmem>>) dst(%dma_wait3A_160 : memref<16x512xf32, #tpu.memory_space<hbm>>)
    return
  }
}

module attributes {stable_mosaic.version = 14 : i64} {
  func.func @_counts_kernel(%arg0: i32, %arg1: memref<1x4096xi32, #tpu.memory_space<vmem>>, %arg2: memref<1x512xf32, #tpu.memory_space<vmem>>, %arg3: memref<1x1xf32, #tpu.memory_space<vmem>>, %arg4: memref<4096x1xi32, #tpu.memory_space<vmem>>) attributes {dimension_semantics = [#tpu.dimension_semantics<arbitrary>], iteration_bounds = array<i64: 8>, scalar_prefetch = 0 : i64, scratch_operands = 1 : i64, tpu.core_type = #tpu.core_type<tc>, window_params = [{pipeline_mode = #tpu.pipeline_mode<synchronous>, transform_indices = @transform_0, window_bounds = array<i64: 1, 4096>}, {transform_indices = @transform_1, window_bounds = array<i64: 1, 512>}, {pipeline_mode = #tpu.pipeline_mode<synchronous>, transform_indices = @transform_2, window_bounds = array<i64: 1, 1>}]} {
    %eq3A = arith.constant 0 : i32
    %eq3A_0 = arith.cmpi eq, %arg0, %eq3A : i32
    %convert_element_type3A = arith.extui %eq3A_0 : i1 to i32
    %cond3A = arith.constant 0 : i32
    %cond3A_1 = arith.cmpi ne, %convert_element_type3A, %cond3A : i32
    scf.if %cond3A_1 {
      %get3A_34 = arith.constant 0 : index
      %get3A_35 = arith.constant 0 : index
      %get3A_36 = vector.load %arg1[%get3A_34, %get3A_35] : memref<1x4096xi32, #tpu.memory_space<vmem>>, vector<1x4096xi32>
      %reshape3A = vector.shape_cast %get3A_36 : vector<1x4096xi32> to vector<4096x1xi32>
      %swap3A_37 = arith.constant 0 : index
      %swap3A_38 = arith.constant 0 : index
      %swap3A_39 = vector.load %arg4[%swap3A_37, %swap3A_38] : memref<4096x1xi32, #tpu.memory_space<vmem>>, vector<4096x1xi32>
      tpu.vector_store %arg4[%swap3A_37, %swap3A_38], %reshape3A {strides = array<i32>} : memref<4096x1xi32, #tpu.memory_space<vmem>>, vector<4096x1xi32>,
    } else {
    }
    %get3A = arith.constant 0 : index
    %get3A_2 = arith.constant 0 : index
    %get3A_3 = vector.load %arg4[%get3A, %get3A_2] : memref<4096x1xi32, #tpu.memory_space<vmem>>, vector<4096x1xi32>
    %mul3A = arith.constant 512 : i32
    %mul3A_4 = arith.muli %arg0, %mul3A : i32
    %get3A_5 = arith.constant 0 : index
    %get3A_6 = arith.index_cast %mul3A_4 : i32 to index
    %get3A_7 = vector.load %arg1[%get3A_5, %get3A_6] : memref<1x4096xi32, #tpu.memory_space<vmem>>, vector<1x512xi32>
    %eq3A_8 = vector.broadcast %get3A_3 : vector<4096x1xi32> to vector<4096x512xi32>
    %eq3A_9 = vector.broadcast %get3A_7 : vector<1x512xi32> to vector<4096x512xi32>
    %eq3A_10 = arith.cmpi eq, %eq3A_8, %eq3A_9 : vector<4096x512xi32>
    %jit3A = arith.constant 1.000000e+00 : f32
    %jit3A_11 = arith.constant 0.000000e+00 : f32
    %broadcast_in_dim3A = vector.broadcast %jit3A : f32 to vector<4096x512xf32>
    %broadcast_in_dim3A_12 = vector.broadcast %jit3A_11 : f32 to vector<4096x512xf32>
    %select_n3A = arith.select %eq3A_10, %broadcast_in_dim3A, %broadcast_in_dim3A_12 : vector<4096x512xi1>, vector<4096x512xf32>
    %reduce_sum3A = arith.constant dense<0.000000e+00> : vector<512xf32>
    %reduce_sum3A_13 = vector.multi_reduction <add>, %select_n3A, %reduce_sum3A [0] : vector<4096x512xf32> to vector<512xf32>
    %broadcast_in_dim3A_14 = vector.shape_cast %reduce_sum3A_13 : vector<512xf32> to vector<1x512xf32>
    %div3A = arith.constant 1.000000e+00 : f32
    %div3A_15 = vector.broadcast %div3A : f32 to vector<1x512xf32>
    %div3A_16 = arith.divf %div3A_15, %broadcast_in_dim3A_14 : vector<1x512xf32>
    %swap3A = arith.constant 0 : index
    %swap3A_17 = arith.constant 0 : index
    %swap3A_18 = vector.load %arg2[%swap3A, %swap3A_17] : memref<1x512xf32, #tpu.memory_space<vmem>>, vector<1x512xf32>
    tpu.vector_store %arg2[%swap3A, %swap3A_17], %div3A_16 {strides = array<i32>} : memref<1x512xf32, #tpu.memory_space<vmem>>, vector<1x512xf32>,
    %reduce_sum3A_19 = vector.shape_cast %div3A_16 : vector<1x512xf32> to vector<1x1x512xf32>
    %reduce_sum3A_20 = arith.constant dense<0.000000e+00> : vector<1xf32>
    %reduce_sum3A_21 = vector.multi_reduction <add>, %reduce_sum3A_19, %reduce_sum3A_20 [1, 2] : vector<1x1x512xf32> to vector<1xf32>
    %reduce_sum3A_22 = vector.shape_cast %reduce_sum3A_21 : vector<1xf32> to vector<1x1x1xf32>
    %reduce_sum3A_23 = vector.extract %reduce_sum3A_22[0, 0, 0] : f32 from vector<1x1x1xf32>
    %broadcast_in_dim3A_24 = vector.broadcast %reduce_sum3A_23 : f32 to vector<1x1xf32>
    %eq3A_25 = arith.constant 0 : i32
    %eq3A_26 = arith.cmpi eq, %arg0, %eq3A_25 : i32
    %convert_element_type3A_27 = arith.extui %eq3A_26 : i1 to i32
    %cond3A_28 = arith.constant 0 : i32
    %cond3A_29 = arith.cmpi ne, %convert_element_type3A_27, %cond3A_28 : i32
    scf.if %cond3A_29 {
      %swap3A_34 = arith.constant 0 : index
      %swap3A_35 = arith.constant 0 : index
      %swap3A_36 = vector.load %arg3[%swap3A_34, %swap3A_35] : memref<1x1xf32, #tpu.memory_space<vmem>>, vector<1x1xf32>
      tpu.vector_store %arg3[%swap3A_34, %swap3A_35], %broadcast_in_dim3A_24 {strides = array<i32>} : memref<1x1xf32, #tpu.memory_space<vmem>>, vector<1x1xf32>,
    } else {
    }
    %ne3A = arith.constant 0 : i32
    %ne3A_30 = arith.cmpi ne, %arg0, %ne3A : i32
    %convert_element_type3A_31 = arith.extui %ne3A_30 : i1 to i32
    %cond3A_32 = arith.constant 0 : i32
    %cond3A_33 = arith.cmpi ne, %convert_element_type3A_31, %cond3A_32 : i32
    scf.if %cond3A_33 {
      %get3A_34 = arith.constant 0 : index
      %get3A_35 = arith.constant 0 : index
      %get3A_36 = vector.load %arg3[%get3A_34, %get3A_35] : memref<1x1xf32, #tpu.memory_space<vmem>>, vector<1x1xf32>
      %add3A = arith.addf %get3A_36, %broadcast_in_dim3A_24 : vector<1x1xf32>
      %swap3A_37 = arith.constant 0 : index
      %swap3A_38 = arith.constant 0 : index
      %swap3A_39 = vector.load %arg3[%swap3A_37, %swap3A_38] : memref<1x1xf32, #tpu.memory_space<vmem>>, vector<1x1xf32>
      tpu.vector_store %arg3[%swap3A_37, %swap3A_38], %add3A {strides = array<i32>} : memref<1x1xf32, #tpu.memory_space<vmem>>, vector<1x1xf32>,
    } else {
    }
    return
  }
  func.func @transform_0(%arg0: i32) -> (i32, i32) {
    %c0_i32 = arith.constant 0 : i32
    %c0_i32_0 = arith.constant 0 : i32
    %c0_i32_1 = arith.constant 0 : i32
    return %c0_i32, %c0_i32_0 : i32, i32
  }
  func.func @transform_1(%arg0: i32) -> (i32, i32) {
    %c0_i32 = arith.constant 0 : i32
    %c0_i32_0 = arith.constant 0 : i32
    return %c0_i32, %arg0 : i32, i32
  }
  func.func @transform_2(%arg0: i32) -> (i32, i32) {
    %c0_i32 = arith.constant 0 : i32
    %c0_i32_0 = arith.constant 0 : i32
    %c0_i32_1 = arith.constant 0 : i32
    return %c0_i32, %c0_i32_0 : i32, i32
  }
}

module attributes {stable_mosaic.version = 14 : i64} {
  func.func @_loss_kernel(%arg0: i32, %arg1: memref<1024x512xf32, #tpu.memory_space<vmem>>, %arg2: memref<4096x512xf32, #tpu.memory_space<vmem>>, %arg3: memref<1x4096xf32, #tpu.memory_space<vmem>>, %arg4: memref<1x1xf32, #tpu.memory_space<vmem>>, %arg5: memref<1x1xf32, #tpu.memory_space<vmem>>, %arg6: memref<4096x512xbf16, #tpu.memory_space<vmem>>, %arg7: memref<1x512xf32, #tpu.memory_space<vmem>>) attributes {dimension_semantics = [#tpu.dimension_semantics<arbitrary>], iteration_bounds = array<i64: 4>, scalar_prefetch = 0 : i64, scratch_operands = 2 : i64, tpu.core_type = #tpu.core_type<tc>, window_params = [{transform_indices = @transform_0, window_bounds = array<i64: 1024, 512>}, {pipeline_mode = #tpu.pipeline_mode<synchronous>, transform_indices = @transform_1, window_bounds = array<i64: 4096, 512>}, {pipeline_mode = #tpu.pipeline_mode<synchronous>, transform_indices = @transform_2, window_bounds = array<i64: 1, 4096>}, {pipeline_mode = #tpu.pipeline_mode<synchronous>, transform_indices = @transform_3, window_bounds = array<i64: 1, 1>}, {pipeline_mode = #tpu.pipeline_mode<synchronous>, transform_indices = @transform_4, window_bounds = array<i64: 1, 1>}]} {
    %eq3A = arith.constant 0 : i32
    %eq3A_0 = arith.cmpi eq, %arg0, %eq3A : i32
    %convert_element_type3A = arith.extui %eq3A_0 : i1 to i32
    %cond3A = arith.constant 0 : i32
    %cond3A_1 = arith.cmpi ne, %convert_element_type3A, %cond3A : i32
    scf.if %cond3A_1 {
      %get3A_121 = arith.constant 0 : index
      %get3A_122 = arith.constant 0 : index
      %get3A_123 = vector.load %arg2[%get3A_121, %get3A_122] : memref<4096x512xf32, #tpu.memory_space<vmem>>, vector<4096x512xf32>
      %mul3A_124 = arith.mulf %get3A_123, %get3A_123 : vector<4096x512xf32>
      %reduce_sum3A_125 = arith.constant dense<0.000000e+00> : vector<4096xf32>
      %reduce_sum3A_126 = vector.multi_reduction <add>, %mul3A_124, %reduce_sum3A_125 [1] : vector<4096x512xf32> to vector<4096xf32>
      %broadcast_in_dim3A_127 = vector.shape_cast %reduce_sum3A_126 : vector<4096xf32> to vector<4096x1xf32>
      %sqrt3A_128 = math.sqrt %broadcast_in_dim3A_127 : vector<4096x1xf32>
      %div3A_129 = arith.constant 1.000000e+00 : f32
      %div3A_130 = vector.broadcast %div3A_129 : f32 to vector<4096x1xf32>
      %div3A_131 = arith.divf %div3A_130, %sqrt3A_128 : vector<4096x1xf32>
      %mul3A_132 = vector.broadcast %div3A_131 : vector<4096x1xf32> to vector<4096x512xf32>
      %mul3A_133 = arith.mulf %get3A_123, %mul3A_132 : vector<4096x512xf32>
      %convert_element_type3A_134 = arith.truncf %mul3A_133 : vector<4096x512xf32> to vector<4096x512xbf16>
      %swap3A = arith.constant 0 : index
      %swap3A_135 = arith.constant 0 : index
      %swap3A_136 = vector.load %arg6[%swap3A, %swap3A_135] : memref<4096x512xbf16, #tpu.memory_space<vmem>>, vector<4096x512xbf16>
      tpu.vector_store %arg6[%swap3A, %swap3A_135], %convert_element_type3A_134 {strides = array<i32>} : memref<4096x512xbf16, #tpu.memory_space<vmem>>, vector<4096x512xbf16>,
      %get3A_137 = arith.constant 0 : index
      %get3A_138 = arith.constant 0 : index
      %get3A_139 = vector.load %arg3[%get3A_137, %get3A_138] : memref<1x4096xf32, #tpu.memory_space<vmem>>, vector<1x4096xf32>
      %convert_element_type3A_140 = arith.truncf %get3A_139 : vector<1x4096xf32> to vector<1x4096xbf16>
      %dot_general3A_141 = arith.constant dense<0.000000e+00> : vector<1x512xf32>
      %dot_general3A_142 = tpu.matmul %convert_element_type3A_140, %convert_element_type3A_134, %dot_general3A_141 {dimension_numbers = #tpu.dot_dimension_numbers<[1], [0], [0], [1], [0, 0, 1, 1], [], []>, transpose_lhs_hint = false} : vector<1x4096xbf16>, vector<4096x512xbf16>, vector<1x512xf32> -> vector<1x512xf32>
      %swap3A_143 = arith.constant 0 : index
      %swap3A_144 = arith.constant 0 : index
      %swap3A_145 = vector.load %arg7[%swap3A_143, %swap3A_144] : memref<1x512xf32, #tpu.memory_space<vmem>>, vector<1x512xf32>
      tpu.vector_store %arg7[%swap3A_143, %swap3A_144], %dot_general3A_142 {strides = array<i32>} : memref<1x512xf32, #tpu.memory_space<vmem>>, vector<1x512xf32>,
    } else {
    }
    %get3A = arith.constant 0 : index
    %get3A_2 = arith.constant 0 : index
    %get3A_3 = vector.load %arg4[%get3A, %get3A_2] : memref<1x1xf32, #tpu.memory_space<vmem>>, vector<1x1xf32>
    %get3A_4 = arith.constant 0 : index
    %get3A_5 = arith.constant 0 : index
    %get3A_6 = vector.load %arg3[%get3A_4, %get3A_5] : memref<1x4096xf32, #tpu.memory_space<vmem>>, vector<1x4096xf32>
    %get3A_7 = arith.constant 0 : index
    %get3A_8 = arith.constant 0 : index
    %get3A_9 = vector.load %arg1[%get3A_7, %get3A_8] : memref<1024x512xf32, #tpu.memory_space<vmem>>, vector<1024x512xf32>
    %mul3A = arith.mulf %get3A_9, %get3A_9 : vector<1024x512xf32>
    %reduce_sum3A = arith.constant dense<0.000000e+00> : vector<1024xf32>
    %reduce_sum3A_10 = vector.multi_reduction <add>, %mul3A, %reduce_sum3A [1] : vector<1024x512xf32> to vector<1024xf32>
    %broadcast_in_dim3A = vector.shape_cast %reduce_sum3A_10 : vector<1024xf32> to vector<1024x1xf32>
    %sqrt3A = math.sqrt %broadcast_in_dim3A : vector<1024x1xf32>
    %max3A = arith.constant 9.99999996E-13 : f32
    %max3A_11 = vector.broadcast %max3A : f32 to vector<1024x1xf32>
    %max3A_12 = arith.maximumf %sqrt3A, %max3A_11 : vector<1024x1xf32>
    %div3A = arith.constant 1.000000e+00 : f32
    %div3A_13 = vector.broadcast %div3A : f32 to vector<1024x1xf32>
    %div3A_14 = arith.divf %div3A_13, %max3A_12 : vector<1024x1xf32>
    %mul3A_15 = arith.constant 1.44269502 : f32
    %mul3A_16 = vector.broadcast %mul3A_15 : f32 to vector<1024x1xf32>
    %mul3A_17 = arith.mulf %div3A_14, %mul3A_16 : vector<1024x1xf32>
    %mul3A_18 = vector.broadcast %mul3A_17 : vector<1024x1xf32> to vector<1024x512xf32>
    %mul3A_19 = arith.mulf %get3A_9, %mul3A_18 : vector<1024x512xf32>
    %mul3A_20 = arith.constant 1024 : i32
    %mul3A_21 = arith.muli %arg0, %mul3A_20 : i32
    %get3A_22 = arith.index_cast %mul3A_21 : i32 to index
    %get3A_23 = arith.constant 0 : index
    %get3A_24 = vector.load %arg6[%get3A_22, %get3A_23] : memref<4096x512xbf16, #tpu.memory_space<vmem>>, vector<1024x512xbf16>
    %convert_element_type3A_25 = arith.extf %get3A_24 : vector<1024x512xbf16> to vector<1024x512xf32>
    %mul3A_26 = arith.mulf %mul3A_19, %convert_element_type3A_25 : vector<1024x512xf32>
    %reduce_sum3A_27 = arith.constant dense<0.000000e+00> : vector<1024xf32>
    %reduce_sum3A_28 = vector.multi_reduction <add>, %mul3A_26, %reduce_sum3A_27 [1] : vector<1024x512xf32> to vector<1024xf32>
    %broadcast_in_dim3A_29 = vector.shape_cast %reduce_sum3A_28 : vector<1024xf32> to vector<1024x1xf32>
    %mul3A_30 = arith.constant 0.693147182 : f32
    %mul3A_31 = vector.broadcast %mul3A_30 : f32 to vector<1024x1xf32>
    %mul3A_32 = arith.mulf %broadcast_in_dim3A_29, %mul3A_31 : vector<1024x1xf32>
    %jit3A = arith.constant -1.000000e+00 : f32
    %jit3A_33 = arith.constant 1.000000e+00 : f32
    %max3A_34 = vector.broadcast %jit3A : f32 to vector<1024x1xf32>
    %max3A_35 = arith.maximumf %max3A_34, %mul3A_32 : vector<1024x1xf32>
    %min3A = vector.broadcast %jit3A_33 : f32 to vector<1024x1xf32>
    %min3A_36 = arith.minimumf %min3A, %max3A_35 : vector<1024x1xf32>
    %mul3A_37 = arith.constant 0.995004177 : f32
    %mul3A_38 = vector.broadcast %mul3A_37 : f32 to vector<1024x1xf32>
    %mul3A_39 = arith.mulf %min3A_36, %mul3A_38 : vector<1024x1xf32>
    %mul3A_40 = arith.mulf %min3A_36, %min3A_36 : vector<1024x1xf32>
    %sub3A = arith.constant 1.000000e+00 : f32
    %sub3A_41 = vector.broadcast %sub3A : f32 to vector<1024x1xf32>
    %sub3A_42 = arith.subf %sub3A_41, %mul3A_40 : vector<1024x1xf32>
    %max3A_43 = arith.constant 0.000000e+00 : f32
    %max3A_44 = vector.broadcast %max3A_43 : f32 to vector<1024x1xf32>
    %max3A_45 = arith.maximumf %sub3A_42, %max3A_44 : vector<1024x1xf32>
    %sqrt3A_46 = math.sqrt %max3A_45 : vector<1024x1xf32>
    %mul3A_47 = arith.constant 0.0998334139 : f32
    %mul3A_48 = vector.broadcast %mul3A_47 : f32 to vector<1024x1xf32>
    %mul3A_49 = arith.mulf %sqrt3A_46, %mul3A_48 : vector<1024x1xf32>
    %sub3A_50 = arith.subf %mul3A_39, %mul3A_49 : vector<1024x1xf32>
    %convert_element_type3A_51 = arith.truncf %mul3A_19 : vector<1024x512xf32> to vector<1024x512xbf16>
    %get3A_52 = arith.constant 0 : index
    %get3A_53 = arith.constant 0 : index
    %get3A_54 = vector.load %arg6[%get3A_52, %get3A_53] : memref<4096x512xbf16, #tpu.memory_space<vmem>>, vector<4096x512xbf16>
    %dot_general3A = arith.constant dense<0.000000e+00> : vector<1024x4096xf32>
    %dot_general3A_55 = tpu.matmul %convert_element_type3A_51, %get3A_54, %dot_general3A {dimension_numbers = #tpu.dot_dimension_numbers<[1], [1], [0], [0], [0, 0, 1, 0], [], []>, transpose_lhs_hint = false} : vector<1024x512xbf16>, vector<4096x512xbf16>, vector<1024x4096xf32> -> vector<1024x4096xf32>
    %exp23A = math.exp2 %dot_general3A_55 : vector<1024x4096xf32>
    %mul3A_56 = vector.broadcast %get3A_6 : vector<1x4096xf32> to vector<1024x4096xf32>
    %mul3A_57 = arith.mulf %exp23A, %mul3A_56 : vector<1024x4096xf32>
    %reduce_sum3A_58 = arith.constant dense<0.000000e+00> : vector<1024xf32>
    %reduce_sum3A_59 = vector.multi_reduction <add>, %mul3A_57, %reduce_sum3A_58 [1] : vector<1024x4096xf32> to vector<1024xf32>
    %broadcast_in_dim3A_60 = vector.shape_cast %reduce_sum3A_59 : vector<1024xf32> to vector<1024x1xf32>
    %get3A_61 = arith.constant 0 : index
    %get3A_62 = arith.constant 0 : index
    %get3A_63 = vector.load %arg7[%get3A_61, %get3A_62] : memref<1x512xf32, #tpu.memory_space<vmem>>, vector<1x512xf32>
    %mul3A_64 = vector.broadcast %get3A_63 : vector<1x512xf32> to vector<1024x512xf32>
    %mul3A_65 = arith.mulf %mul3A_19, %mul3A_64 : vector<1024x512xf32>
    %reduce_sum3A_66 = arith.constant dense<0.000000e+00> : vector<1024xf32>
    %reduce_sum3A_67 = vector.multi_reduction <add>, %mul3A_65, %reduce_sum3A_66 [1] : vector<1024x512xf32> to vector<1024xf32>
    %broadcast_in_dim3A_68 = vector.shape_cast %reduce_sum3A_67 : vector<1024xf32> to vector<1024x1xf32>
    %mul3A_69 = arith.constant 0.693147182 : f32
    %mul3A_70 = vector.broadcast %mul3A_69 : f32 to vector<1024x1xf32>
    %mul3A_71 = arith.mulf %broadcast_in_dim3A_68, %mul3A_70 : vector<1024x1xf32>
    %mul3A_72 = arith.constant 1.44269502 : f32
    %mul3A_73 = vector.broadcast %mul3A_72 : f32 to vector<1024x1xf32>
    %mul3A_74 = arith.mulf %mul3A_73, %min3A_36 : vector<1024x1xf32>
    %exp23A_75 = math.exp2 %mul3A_74 : vector<1024x1xf32>
    %sub3A_76 = arith.subf %broadcast_in_dim3A_60, %exp23A_75 : vector<1024x1xf32>
    %mul3A_77 = arith.constant 1.44269502 : f32
    %mul3A_78 = vector.broadcast %mul3A_77 : f32 to vector<1024x1xf32>
    %mul3A_79 = arith.mulf %mul3A_78, %sub3A_50 : vector<1024x1xf32>
    %exp23A_80 = math.exp2 %mul3A_79 : vector<1024x1xf32>
    %add3A = arith.addf %sub3A_76, %exp23A_80 : vector<1024x1xf32>
    %mul3A_81 = arith.constant 1.000000e+00 : f32
    %mul3A_82 = vector.broadcast %mul3A_81 : f32 to vector<1024x1xf32>
    %mul3A_83 = arith.mulf %mul3A_82, %min3A_36 : vector<1024x1xf32>
    %sub3A_84 = arith.subf %mul3A_71, %mul3A_83 : vector<1024x1xf32>
    %mul3A_85 = arith.constant 1.000000e+00 : f32
    %mul3A_86 = vector.broadcast %mul3A_85 : f32 to vector<1024x1xf32>
    %mul3A_87 = arith.mulf %mul3A_86, %sub3A_50 : vector<1024x1xf32>
    %add3A_88 = arith.addf %sub3A_84, %mul3A_87 : vector<1024x1xf32>
    %log3A = math.log %add3A : vector<1024x1xf32>
    %mul3A_89 = arith.constant 1.000000e+00 : f32
    %mul3A_90 = vector.broadcast %mul3A_89 : f32 to vector<1024x1xf32>
    %mul3A_91 = arith.mulf %mul3A_90, %sub3A_50 : vector<1024x1xf32>
    %sub3A_92 = arith.subf %mul3A_91, %log3A : vector<1024x1xf32>
    %mul3A_93 = arith.constant -0.899999976 : f32
    %mul3A_94 = vector.broadcast %mul3A_93 : f32 to vector<1024x1xf32>
    %mul3A_95 = arith.mulf %mul3A_94, %sub3A_92 : vector<1024x1xf32>
    %mul3A_96 = vector.broadcast %get3A_3 : vector<1x1xf32> to vector<1024x1xf32>
    %mul3A_97 = arith.mulf %mul3A_96, %log3A : vector<1024x1xf32>
    %sub3A_98 = arith.subf %add3A_88, %mul3A_97 : vector<1024x1xf32>
    %mul3A_99 = arith.constant 9.99999997E-7 : f32
    %mul3A_100 = vector.broadcast %mul3A_99 : f32 to vector<1024x1xf32>
    %mul3A_101 = arith.mulf %mul3A_100, %sub3A_98 : vector<1024x1xf32>
    %sub3A_102 = arith.subf %mul3A_95, %mul3A_101 : vector<1024x1xf32>
    %reduce_sum3A_103 = vector.shape_cast %sub3A_102 : vector<1024x1xf32> to vector<1x1024x1xf32>
    %reduce_sum3A_104 = arith.constant dense<0.000000e+00> : vector<1xf32>
    %reduce_sum3A_105 = vector.multi_reduction <add>, %reduce_sum3A_103, %reduce_sum3A_104 [1, 2] : vector<1x1024x1xf32> to vector<1xf32>
    %reduce_sum3A_106 = vector.shape_cast %reduce_sum3A_105 : vector<1xf32> to vector<1x1x1xf32>
    %reduce_sum3A_107 = vector.extract %reduce_sum3A_106[0, 0, 0] : f32 from vector<1x1x1xf32>
    %broadcast_in_dim3A_108 = vector.broadcast %reduce_sum3A_107 : f32 to vector<1x1xf32>
    %mul3A_109 = arith.constant 2.44140625E-4 : f32
    %mul3A_110 = vector.broadcast %mul3A_109 : f32 to vector<1x1xf32>
    %mul3A_111 = arith.mulf %broadcast_in_dim3A_108, %mul3A_110 : vector<1x1xf32>
    %eq3A_112 = arith.constant 0 : i32
    %eq3A_113 = arith.cmpi eq, %arg0, %eq3A_112 : i32
    %convert_element_type3A_114 = arith.extui %eq3A_113 : i1 to i32
    %cond3A_115 = arith.constant 0 : i32
    %cond3A_116 = arith.cmpi ne, %convert_element_type3A_114, %cond3A_115 : i32
    scf.if %cond3A_116 {
      %swap3A = arith.constant 0 : index
      %swap3A_121 = arith.constant 0 : index
      %swap3A_122 = vector.load %arg5[%swap3A, %swap3A_121] : memref<1x1xf32, #tpu.memory_space<vmem>>, vector<1x1xf32>
      tpu.vector_store %arg5[%swap3A, %swap3A_121], %mul3A_111 {strides = array<i32>} : memref<1x1xf32, #tpu.memory_space<vmem>>, vector<1x1xf32>,
    } else {
    }
    %ne3A = arith.constant 0 : i32
    %ne3A_117 = arith.cmpi ne, %arg0, %ne3A : i32
    %convert_element_type3A_118 = arith.extui %ne3A_117 : i1 to i32
    %cond3A_119 = arith.constant 0 : i32
    %cond3A_120 = arith.cmpi ne, %convert_element_type3A_118, %cond3A_119 : i32
    scf.if %cond3A_120 {
      %get3A_121 = arith.constant 0 : index
      %get3A_122 = arith.constant 0 : index
      %get3A_123 = vector.load %arg5[%get3A_121, %get3A_122] : memref<1x1xf32, #tpu.memory_space<vmem>>, vector<1x1xf32>
      %add3A_124 = arith.addf %get3A_123, %mul3A_111 : vector<1x1xf32>
      %swap3A = arith.constant 0 : index
      %swap3A_125 = arith.constant 0 : index
      %swap3A_126 = vector.load %arg5[%swap3A, %swap3A_125] : memref<1x1xf32, #tpu.memory_space<vmem>>, vector<1x1xf32>
      tpu.vector_store %arg5[%swap3A, %swap3A_125], %add3A_124 {strides = array<i32>} : memref<1x1xf32, #tpu.memory_space<vmem>>, vector<1x1xf32>,
    } else {
    }
    return
  }
  func.func @transform_0(%arg0: i32) -> (i32, i32) {
    %c0_i32 = arith.constant 0 : i32
    %c0_i32_0 = arith.constant 0 : i32
    return %arg0, %c0_i32 : i32, i32
  }
  func.func @transform_1(%arg0: i32) -> (i32, i32) {
    %c0_i32 = arith.constant 0 : i32
    %c0_i32_0 = arith.constant 0 : i32
    %c0_i32_1 = arith.constant 0 : i32
    return %c0_i32, %c0_i32_0 : i32, i32
  }
  func.func @transform_2(%arg0: i32) -> (i32, i32) {
    %c0_i32 = arith.constant 0 : i32
    %c0_i32_0 = arith.constant 0 : i32
    %c0_i32_1 = arith.constant 0 : i32
    return %c0_i32, %c0_i32_0 : i32, i32
  }
  func.func @transform_3(%arg0: i32) -> (i32, i32) {
    %c0_i32 = arith.constant 0 : i32
    %c0_i32_0 = arith.constant 0 : i32
    %c0_i32_1 = arith.constant 0 : i32
    return %c0_i32, %c0_i32_0 : i32, i32
  }
  func.func @transform_4(%arg0: i32) -> (i32, i32) {
    %c0_i32 = arith.constant 0 : i32
    %c0_i32_0 = arith.constant 0 : i32
    %c0_i32_1 = arith.constant 0 : i32
    return %c0_i32, %c0_i32_0 : i32, i32
  }
}

</mosaic_0001>

<sc_bundles>
// kernel: kernel.5.cloned.1.call-start
scs
__scs_entry_jumppad:
0x0: {  	(pc) =	sbr.rel $0x88, $3  }
0x1: {  	(tag) =	ssettag $0x0;
	lr =	simm.s32 $0x1  }
0x2: {  	[smem:$0x3F9E] =	sst lr;
	_ =	strace $0xD0000000  }
0x3: {  	_ = 	snop  }
0x4: {  	_ = 	snop  }
0x5: {  	_ = 	snop  }
0x6: {  	_ = 	snop  }
0x7: {  	_ = 	snop  }
__scs_overlays_trampoline_lowered:
0x8: {  	[smem:$0x3FAD] =	sst s0  }
0x9: {  	[smem:$0x3FAE] =	sst s1  }
0xa: {  	[smem:$0x3FAF] =	sst s2  }
0xb: {  	[smem:$0x3FB0] =	sst s3  }
0xc: {  	[smem:$0x3FB1] =	sst s4  }
0xd: {  	[smem:$0x3FB2] =	sst s5  }
0xe: {  	[smem:$0x3FB3] =	sst s6  }
0xf: {  	[smem:$0x3FB4] =	sst s7  }
0x10: {  	[smem:$0x3FB5] =	sst s8  }
0x11: {  	[smem:$0x3FB6] =	sst s9;
	s0 =	simm.s32 @!p0 $0x0  }
0x12: {  	s1 =	sld [smem:$0x3F9C];
	s0 =	simm.s32 @p0 $0x1  }
0x13: {  	[smem:$0x3FB7] =	sst s0;
	s0 =	simm.s32 @!p1 $0x0  }
0x14: {  	s2 =	sld [smem:$0x3F9B];
	s0 =	simm.s32 @p1 $0x1  }
0x15: {  	[smem:$0x3FB8] =	sst s0;
	s0 =	simm.s32 @!p2 $0x0  }
0x16: {  	s3 =	sld [smem:$0x3FDB];
	s0 =	simm.s32 @p2 $0x1  }
0x17: {  	s4 =	simm.s32 $0x1BF5;
	[smem:$0x3FBA] =	sst s0  }
0x18: {  	s0 =	sld [smem:$0x3F9D];
	_ =	swait.ge [sflag:s4], $0x0  }
0x19: {  	s7 =	sld [smem:$0x3F9E]  }
0x1a: {  	s8 =	sadd.s32 $0xFFFFE003, lr  }
0x1b: {  	s9 =	sadd.s32 $0xFFFFFEF7, lr;
	s5 =	simm.s32 $0xFFFFFFFF;
	p2 =	slt.u32 s8, $0xFFFFF086  }
0x1c: {  	p1 =	slt.u32 s9, $0xF7A;
	s5 =	simm.s32 @!p2 $0x0  }
0x1d: {  	s5 =	simm.s32 @p1 $0x1;
	p0 =	seq.s32 s7, s2  }
0x1e: {  	s7 =	smul.u32 @!p0 $0xF7A, s2;
	p2 =	seq.s32 @!p0 s5, $0x0  }
0x1f: {  	s9 =	smul.u32 $0xF7A, s1;
	s8 =	simm.s32 @!p0 $0x1BF5;
	p2 =	por !p2, p0  }
0x20: {  	[sflag:s8] =	ssyncset.s32 @!p0 $0xFFFFF086;
	s6 =	sadd.s32 @!p0 s3, s7;
	s7 =	simm.s32 @!p0 $0x108  }
0x21: {  	s3 =	sadd.s32 s3, s9;
	s6 =	sadd.s32 @!p0 $0x88, s6;
	s7 =	simm.s32 @p2 $0x1082  }
0x22: {  	[simem:s7], [sflag:s8] =	dma.local @!p0 [hbm:s6], $0xF7A  }
0x23: {  	s9 =	sor.u32 $0xD0000000, s2;
	s6 =	simm.s32 $0x108;
	_ =	swait.ge @!p0 [sflag:s8], $0x0  }
0x24: {  	s3 =	sadd.s32 $0x88, s3;
	s6 =	simm.s32 @!p1 $0x1082;
	[sflag:s4] =	ssyncset.s32 $0xFFFFF086  }
0x25: {  	[simem:s6], [sflag:s4] =	dma.local [hbm:s3], $0xF7A  }
0x26: {  	[smem:$0x3F9E] =	sst s1;
	(tag) =	ssettag s2;
	_ =	strace s9  }
0x27: {  	s1 =	sld [smem:$0x3FAE]  }
0x28: {  	s2 =	sld [smem:$0x3FAF]  }
0x29: {  	s4 =	sld [smem:$0x3FB1]  }
0x2a: {  	p0 =	seq.s32 s5, $0x0;
	s5 =	sld [smem:$0x3FB2]  }
0x2b: {  	s6 =	sld [smem:$0x3FB3]  }
0x2c: {  	s7 =	sld [smem:$0x3FB4]  }
0x2d: {  	s3 =	simm.s32 $0x108;
	s8 =	sld [smem:$0x3FB5]  }
0x2e: {  	s3 =	simm.s32 @!p0 $0x1082;
	s9 =	sld [smem:$0x3FB6]  }
0x2f: {  	lr =	sadd.s32 s0, s3;
	s0 =	sld [smem:$0x3FAD]  }
0x30: {  	s3 =	sld [smem:$0x3FB0]  }
0x31: {  	[smem:$0x3FB9] =	sst s10  }
0x32: {  	s10 =	sld [smem:$0x3FB7];
	_ =	sdelay $0x3  }
0x33: {  	p0 =	seq.s32 s10, $0x1;
	s10 =	sld [smem:$0x3FB9];
	_ =	sdelay $0x3  }
0x34: {  	[smem:$0x3FB9] =	sst s10  }
0x35: {  	s10 =	sld [smem:$0x3FB8];
	_ =	sdelay $0x3  }
0x36: {  	p1 =	seq.s32 s10, $0x1;
	s10 =	sld [smem:$0x3FB9];
	_ =	sdelay $0x3  }
0x37: {  	[smem:$0x3FB9] =	sst s10  }
0x38: {  	s10 =	sld [smem:$0x3FBA]  }
0x39: {  	_ = 	snop;
	(pc) =	sbr.ind lr, $3  }
0x3a: {  	_ = 	snop  }
0x3b: {  	_ = 	snop  }
0x3c: {  	p2 =	seq.s32 s10, $0x1;
	s10 =	sld [smem:$0x3FB9]  }
0x3d: {  	_ =	shalt  }
0x3e: {  	_ =	shalt  }
0x3f: {  	_ =	shalt  }
0x40: {  	_ =	shalt  }
0x41: {  	_ =	shalt  }
0x42: {  	_ =	shalt  }
0x43: {  	_ =	shalt  }
0x44: {  	_ =	shalt  }
0x45: {  	_ =	shalt  }
0x46: {  	_ =	shalt  }
0x47: {  	_ =	shalt  }
0x48: {  	_ =	shalt  }
0x49: {  	_ =	shalt  }
0x4a: {  	_ =	shalt  }
0x4b: {  	_ =	shalt  }
0x4c: {  	_ =	shalt  }
0x4d: {  	_ =	shalt  }
0x4e: {  	_ =	shalt  }
0x4f: {  	_ =	shalt  }
0x50: {  	_ =	shalt  }
0x51: {  	_ =	shalt  }
0x52: {  	_ =	shalt  }
0x53: {  	_ =	shalt  }
0x54: {  	_ =	shalt  }
0x55: {  	_ =	shalt  }
0x56: {  	_ =	shalt  }
0x57: {  	_ =	shalt  }
0x58: {  	_ =	shalt  }
0x59: {  	_ =	shalt  }
0x5a: {  	_ =	shalt  }
0x5b: {  	_ =	shalt  }
0x5c: {  	_ =	shalt  }
0x5d: {  	_ =	shalt  }
0x5e: {  	_ =	shalt  }
0x5f: {  	_ =	shalt  }
0x60: {  	_ =	shalt  }
0x61: {  	_ =	shalt  }
0x62: {  	_ =	shalt  }
0x63: {  	_ =	shalt  }
0x64: {  	_ =	shalt  }
0x65: {  	_ =	shalt  }
0x66: {  	_ =	shalt  }
0x67: {  	_ =	shalt  }
0x68: {  	_ =	shalt  }
0x69: {  	_ =	shalt  }
0x6a: {  	_ =	shalt  }
0x6b: {  	_ =	shalt  }
0x6c: {  	_ =	shalt  }
0x6d: {  	_ =	shalt  }
0x6e: {  	_ =	shalt  }
0x6f: {  	_ =	shalt  }
0x70: {  	_ =	shalt  }
0x71: {  	_ =	shalt  }
0x72: {  	_ =	shalt  }
0x73: {  	_ =	shalt  }
0x74: {  	_ =	shalt  }
0x75: {  	_ =	shalt  }
0x76: {  	_ =	shalt  }
0x77: {  	_ =	shalt  }
0x78: {  	_ =	shalt  }
0x79: {  	_ =	shalt  }
0x7a: {  	_ =	shalt  }
0x7b: {  	_ =	shalt  }
0x7c: {  	_ =	shalt  }
0x7d: {  	_ =	shalt  }
0x7e: {  	_ =	shalt  }
0x7f: {  	_ =	shalt  }
0x80: {  	_ =	shalt  }
0x81: {  	_ =	shalt  }
0x82: {  	_ =	shalt  }
0x83: {  	_ =	shalt  }
0x84: {  	_ =	shalt  }
0x85: {  	_ =	shalt  }
0x86: {  	_ =	shalt  }
0x87: {  	_ =	shalt  }
.Lfunc_end0:
.L_simem_size_0:
called_computation_lowered:
.L_overlay_start_0:
0x88: {  	s2 =	sld [smem:$0x3FD9]  }
0x89: {  	s3 =	sld [smem:$0x3FFE];
	_ =	sdelay $0x1  }
0x8a: {  	s1 =	srdreg.scid  }
0x8b: {  	s0 =	sand.u32 $0x1, s1  }
0x8c: {  	s17 =	sshll.u32 s0, $0xA;
	s2 =	sadd.s32 s3, s2  }
0x8d: {  	s2 =	sadd.s32 s2, s17  }
0x8e: {  	[smem:$0x3FC5] =	sst s2  }
0x8f: {  	_ = 	snop  }
0x90: {  	s2 =	sld [smem:$0x3FC8]  }
0x91: {  	s18 =	sld [smem:$0x3FC7];
	(tm) =	ssettm $0x1  }
0x92: {  	s4 =	sld [smem:$0x3FFB];
	_ =	sdelay $0x3  }
0x93: {  	_ =	strace s4  }
0x94: {  	s4 =	sld [smem:$0x3FFC];
	_ =	sdelay $0x3  }
0x95: {  	_ =	strace s4  }
0x96: {  	s4 =	sld [smem:$0x3FFD];
	_ =	sdelay $0x3  }
0x97: {  	_ =	strace s4  }
0x98: {  	_ =	strace $0x8FFFFFFF  }
0x99: {  	s19 =	sld [smem:$0x3FDB];
	_ =	sdelay $0x1  }
0x9a: {  	s5 =	simm.s32 $_scs_section_size  }
0x9b: {  	s6 =	simm.s32 $_size__tile_overlayer_lowered;
	s7 =	simm.s32 $_tile_overlayer_lowered  }
0x9c: {  	s22 =	simm.s32 $0x1BFF;
	s21 =	sshll.u32 s7, $0x1;
	s4 =	sadd.s32 s5, s19  }
0x9d: {  	s8 =	simm.s32 $0x0;
	s20 =	sshll.u32 s6, $0x1;
	s6 =	sadd.s32 s21, s4  }
0x9e: {  	[timem:s8], [sflag:s22] =	dma.local [hbm:s6], s20  }
0x9f: {  	_ =	swait.ge [sflag:s22], s20  }
0xa0: {  	s5 =	ssub.s32 $0x0, s20;
	[sflag:s22] =	ssyncset.done $0x0  }
0xa1: {  	[sflag:s22] =	ssyncadd.s32 s5;
	_ =	sdelay $0x1  }
0xa2: {  	s23 =	simm.s32 $0x1B8B  }
0xa3: {  	_ =	swait.ge [sflag:s23], $0x1  }
0xa4: {  	[sflag:s23] =	ssyncset.done $0x0  }
0xa5: {  	s25 =	simm.s32 $0x1B8E;
	s24 =	sld [smem:$0x3FFE];
	[sflag:s23] =	ssyncadd.s32 $0xFFFFFFFF  }
0xa6: {  	s26 =	simm.s32 $execute0_lowered;
	[smem:$0x3FD2] =	sst s25  }
0xa7: {  	s6 =	sshll.u32 s26, $0x1;
	_ =	strace $0x80000046;
	[dreg:$0x1] =	wrdreg $0xFFFFFFFF  }
0xa8: {  	s28 =	simm.s32 $_size_execute0_lowered;
	s4 =	sadd.s32 s4, s6;
	[dreg:$0x0] =	wrdreg $0x0  }
0xa9: {  	s6 =	sshll.u32 s28, $0x1;
	[dreg:$0x2] =	wrdreg s4  }
0xaa: {  	[dreg:$0x3] =	wrdreg s6  }
0xab: {  	[dreg:$0x4] =	wrdreg $0xC0  }
0xac: {  	_ =	task [dreg:s8], $0x5FFFF  }
0xad: {  	[dreg:$0x1] =	wrdreg $0xFFFFFFFF  }
0xae: {  	[dreg:$0x0] =	wrdreg $0x60  }
0xaf: {  	[dreg:$0x2] =	wrdreg s18  }
0xb0: {  	[dreg:$0x3] =	wrdreg s2  }
0xb1: {  	[dreg:$0x4] =	wrdreg s24  }
0xb2: {  	[dreg:$0x5] =	wrdreg $0x9  }
0xb3: {  	_ =	task.clear_ibuf [dreg:s8], $0x6FFFF;
	_ =	strace $0x90000046  }
0xb4: {  	s29 =	simm.s32 $0x9;
	_ =	strace $0x80000048  }
0xb5: {  	_ =	swait.ge [sflag:s29], $0x1  }
0xb6: {  	[sflag:s29] =	ssyncadd.s32 $0xFFFFFFFF  }
0xb7: {  	_ =	strace $0x90000048  }
0xb8: {  	_ =	sfence  }
0xb9: {  	s30 =	sld [smem:$0x0];
	_ =	sdelay $0x2  }
0xba: {  	s31 =	sshll.u32 s1, $0xD;
	s1 =	sshrl.u32 s1, $0x2  }
0xbb: {  	s3 =	sand.u32 $0x4000, s31;
	s1 =	sadd.s32 s1, s30  }
0xbc: {  	s0 =	sor.u32 s3, s0;
	s1 =	sshll.u32 s1, $0x11  }
0xbd: {  	s0 =	sor.u32 s1, s0  }
0xbe: {  	s0 =	sadd.s32 $0x8F2B, s0  }
0xbf: {  	[sflag:s0] =	ssyncadd.remote.s32 $0x1  }
0xc0: {  	_ =	sfence.sel $0xFFFF  }
0xc1: {  	[dreg:$0x0] =	wrdreg $0xFFFFFFFF;
	(pc) =	sbr.abs _section_cstart, $3  }
0xc2: {  	[dreg:$0x1] =	wrdreg $0xFFFFFFFF  }
0xc3: {  	_ =	task.clear_ibuf [dreg:s8], $0x2FFFF;
	_ =	strace $0x9FFFFFFF  }
0xc4: {  	(tm) =	ssettm $0x7FFFFFFF  }
0xc5: {  	_ =	shalt  }
tec
execute0_lowered:
.L_overlay_start_1:
0x0: {  	(tag) =	ssettag $0x1  }
0x1: {  	s1 =	rddreg [dreg:$0x0]  }
0x2: {  	s4 =	rddreg [dreg:$0x1]  }
0x3: {  	s0 =	stileid.u32;
	s5 =	rddreg [dreg:$0x2];
	s3 =	simm.s32 $0x0  }
0x4: {  	s26 =	simm.s32 $0x880;
	s6 =	sshll.u32 s0, $0x8;
	[smem:$0x7FF] =	sst s3  }
0x5: {  	s0 =	simm.s32 $0x1080;
	_ =	strace $0x80000047;
	[dreg:$0xd] =	wrdreg s26  }
0x6: {  	s8 =	simm.s32 $0x3880;
	[dreg:$0xe] =	wrdreg s0  }
0x7: {  	s9 =	simm.s32 $0x4880;
	[dreg:$0x12] =	wrdreg s8  }
0x8: {  	s10 =	simm.s32 $0x5080;
	[dreg:$0x13] =	wrdreg s9  }
0x9: {  	s11 =	simm.s32 $0x5880;
	[dreg:$0x14] =	wrdreg s10  }
0xa: {  	s2 =	srdreg.scid;
	s12 =	simm.s32 $0x6880;
	[dreg:$0x15] =	wrdreg s11  }
0xb: {  	s14 =	simm.s32 $0x7080;
	s15 =	simm.s32 $0x7880;
	[dreg:$0x16] =	wrdreg s12  }
0xc: {  	s16 =	simm.s32 $0x8880;
	s17 =	simm.s32 $0x9080;
	[dreg:$0x17] =	wrdreg s14  }
0xd: {  	s28 =	simm.s32 $0xC;
	s2 =	sand.u32 $0x1, s2;
	[dreg:$0x18] =	wrdreg s15  }
0xe: {  	s29 =	simm.s32 $0xD;
	s7 =	sshll.u32 s2, $0x7;
	[dreg:$0x19] =	wrdreg s16  }
0xf: {  	s30 =	simm.s32 $0xE;
	[dreg:$0x1a] =	wrdreg s17;
	s6 =	sor.u32 s7, s6  }
0x10: {  	s26 =	simm.s32 $0xF080;
	s7 =	sshll.u32 s6, $0x6;
	s6 =	sshrl.u32 s6, $0x3  }
0x11: {  	s31 =	simm.s32 $0xF;
	[smem:$0x7FD] =	sst s26;
	s4 =	sadd.s32 s4, s6  }
0x12: {  	s2 =	ssub.s32 $0x2, s2;
	s6 =	simm.s32 $0x2880;
	[dreg:$0x4] =	wrdreg s4  }
0x13: {  	s5 =	sadd.s32 s7, s5;
	s7 =	simm.s32 $0x3080;
	[dreg:$0x10] =	wrdreg s6  }
0x14: {  	s8 =	simm.s32 $0x2080;
	s18 =	sadd.s32 $0xC00, s5;
	[dreg:$0x11] =	wrdreg s7  }
0x15: {  	s9 =	simm.s32 $0x4080;
	s19 =	sadd.s32 $0x1000, s5;
	[dreg:$0x5] =	wrdreg s18  }
0x16: {  	s10 =	simm.s32 $0x6080;
	s20 =	sadd.s32 $0x1400, s5;
	[dreg:$0x6] =	wrdreg s19  }
0x17: {  	s11 =	simm.s32 $0x8080;
	s21 =	sadd.s32 $0x1800, s5;
	[dreg:$0x7] =	wrdreg s20  }
0x18: {  	s12 =	simm.s32 $0xA080;
	s22 =	sadd.s32 $0x1C00, s5;
	[dreg:$0x8] =	wrdreg s21  }
0x19: {  	s14 =	simm.s32 $0xE080;
	s23 =	sadd.s32 $0x2000, s5;
	[dreg:$0x9] =	wrdreg s22  }
0x1a: {  	s16 =	simm.s32 $0x1;
	s24 =	sadd.s32 $0x2400, s5;
	[dreg:$0xa] =	wrdreg s23  }
0x1b: {  	s17 =	simm.s32 $0x2;
	s25 =	sadd.s32 $0x2800, s5;
	[dreg:$0xb] =	wrdreg s24  }
0x1c: {  	s13 =	sshrl.u32 s2, $0x1;
	s5 =	simm.s32 $0x1880;
	[dreg:$0xc] =	wrdreg s25  }
0x1d: {  	s26 =	simm.s32 $0xB;
	[dreg:$0xf] =	wrdreg s5;
	s18 =	simm.s32 $0x9880  }
0x1e: {  	s2 =	ssub.s32 s2, s13;
	s19 =	simm.s32 $0xA880;
	[dreg:$0x1b] =	wrdreg s18  }
0x1f: {  	s13 =	simm.s32 $0xC080;
	s20 =	simm.s32 $0xB080;
	[dreg:$0x1c] =	wrdreg s19  }
0x20: {  	s4 =	sadd.s32 $0x100, s1;
	s21 =	simm.s32 $0xB880;
	[dreg:$0x1d] =	wrdreg s20  }
0x21: {  	s6 =	simm.s32 $0x11;
	s22 =	simm.s32 $0xC880;
	[dreg:$0x1e] =	wrdreg s21  }
0x22: {  	s7 =	simm.s32 $0x80;
	s23 =	simm.s32 $0xD080;
	[dreg:$0x1f] =	wrdreg s22  }
0x23: {  	s5 =	smax.u32 s2, $0x1;
	s24 =	simm.s32 $0xD880;
	[smem:$0x7FA] =	sst s23  }
0x24: {  	s25 =	simm.s32 $0xE880;
	s2 =	simm.s32 $0x10;
	[smem:$0x7FB] =	sst s24  }
0x25: {  	v2 =	vlaneseq.u32;
	[smem:$0x7FC] =	sst s25;
	s18 =	simm.s32 $0x3;
	s19 =	simm.s32 $0x4  }
0x26: {  	vm0 =	vmmov $0xffff;
	v1 =	vshrl.u32 v2, $0x3;
	s20 =	simm.s32 $0x5;
	s21 =	simm.s32 $0x6;
	s22 =	simm.s32 $0x7  }
0x27: {  	v0 =	vand.u32 $0x7, v2;
	v2 =	vor.u32 $0x8, v2;
	v1 =	vmul.u32 $0x8, v1;
	s23 =	simm.s32 $0x8;
	s24 =	simm.s32 $0x9;
	s25 =	simm.s32 $0xA  }
.LBB2_1:
0x28: {  	s0 =	rddreg [dreg:$0x4]  }
0x29: {  	[tilespmem:s3], [sflag:$0x11] =	stream.linear.gather [hbm4b:s0+s3], $0x80, $0x38;
	[tilespmem:$0x10080] =	vst v63  }
0x2a: {  	_ =	swait.ge [sflag:s6], $0x80  }
0x2b: {  	[sflag:s6] =	ssyncset.done $0x0  }
0x2c: {  	[sflag:s6] =	ssyncadd.s32 $0xFFFFFF80  }
0x2d: {  	v3 =	vld [tilespmem:$0x0];
	_ =	sdelay $0x4  }
0x2e: {  	v4 =	vshll.u32 v3, $0x2  }
0x2f: {  	v3 =	vand.u32 $0x7, v3;
	v4 =	vand.u32 $0xFFFFFFE0, v4  }
0x30: {  	v3 =	vor.u32 v3, v4  }
0x31: {  	v4 =	vperm.xlane v3, v0;
	_ =	sdelay $0x1  }
0x32: {  	v4 =	vadd.s32 v1, v4;
	_ =	sdelay $0x1  }
0x33: {  	v3 =	vperm.xlane v3, v2;
	_ =	sdelay $0x1  }
0x34: {  	v3 =	vadd.s32 v1, v3  }
0x35: {  	[tilespmem:s7], [sflag:$0x1] =	stream.indirect_vreg.gather [hbm4b:s1+s3], $0x80, v4, vm0, $0xb8;
	[tilespmem:$0x10080] =	vst v63  }
0x36: {  	s0 =	rddreg [dreg:$0xd]  }
0x37: {  	[tilespmem:s0], [sflag:$0x1] =	stream.indirect_vreg.gather [hbm4b:s4+s3], $0x80, v4, vm0, $0xb8;
	[tilespmem:$0x10080] =	vst v63  }
0x38: {  	s15 =	rddreg [dreg:$0xe]  }
0x39: {  	[tilespmem:s15], [sflag:$0x1] =	stream.indirect_vreg.gather [hbm4b:s1+s3], $0x80, v3, vm0, $0xb8;
	[tilespmem:$0x10080] =	vst v63  }
0x3a: {  	s0 =	rddreg [dreg:$0xf]  }
0x3b: {  	[tilespmem:s0], [sflag:$0x1] =	stream.indirect_vreg.gather [hbm4b:s4+s3], $0x80, v3, vm0, $0xb8;
	[tilespmem:$0x10080] =	vst v63  }
0x3c: {  	v3 =	vld [tilespmem:$0x10];
	_ =	sdelay $0x4  }
0x3d: {  	v57 =	vshll.u32 v3, $0x2  }
0x3e: {  	v3 =	vand.u32 $0x7, v3;
	v4 =	vand.u32 $0xFFFFFFE0, v57  }
0x3f: {  	v3 =	vor.u32 v3, v4  }
0x40: {  	v4 =	vperm.xlane v3, v0;
	_ =	sdelay $0x1  }
0x41: {  	v4 =	vadd.s32 v1, v4;
	_ =	sdelay $0x1  }
0x42: {  	v3 =	vperm.xlane v3, v2;
	_ =	sdelay $0x1  }
0x43: {  	v3 =	vadd.s32 v1, v3  }
0x44: {  	[tilespmem:s8], [sflag:$0x2] =	stream.indirect_vreg.gather [hbm4b:s1+s3], $0x80, v4, vm0, $0xb8;
	[tilespmem:$0x10080] =	vst v63  }
0x45: {  	s0 =	rddreg [dreg:$0x10]  }
0x46: {  	[tilespmem:s0], [sflag:$0x2] =	stream.indirect_vreg.gather [hbm4b:s4+s3], $0x80, v4, vm0, $0xb8;
	[tilespmem:$0x10080] =	vst v63  }
0x47: {  	s15 =	rddreg [dreg:$0x11]  }
0x48: {  	[tilespmem:s15], [sflag:$0x2] =	stream.indirect_vreg.gather [hbm4b:s1+s3], $0x80, v3, vm0, $0xb8;
	[tilespmem:$0x10080] =	vst v63  }
0x49: {  	s0 =	rddreg [dreg:$0x12]  }
0x4a: {  	[tilespmem:s0], [sflag:$0x2] =	stream.indirect_vreg.gather [hbm4b:s4+s3], $0x80, v3, vm0, $0xb8;
	[tilespmem:$0x10080] =	vst v63  }
0x4b: {  	v3 =	vld [tilespmem:$0x20];
	_ =	sdelay $0x4  }
0x4c: {  	v58 =	vshll.u32 v3, $0x2  }
0x4d: {  	v3 =	vand.u32 $0x7, v3;
	v4 =	vand.u32 $0xFFFFFFE0, v58  }
0x4e: {  	v3 =	vor.u32 v3, v4  }
0x4f: {  	v4 =	vperm.xlane v3, v0;
	_ =	sdelay $0x1  }
0x50: {  	v4 =	vadd.s32 v1, v4;
	_ =	sdelay $0x1  }
0x51: {  	v3 =	vperm.xlane v3, v2;
	_ =	sdelay $0x1  }
0x52: {  	v3 =	vadd.s32 v1, v3  }
0x53: {  	[tilespmem:s9], [sflag:$0x3] =	stream.indirect_vreg.gather [hbm4b:s1+s3], $0x80, v4, vm0, $0xb8;
	[tilespmem:$0x10080] =	vst v63  }
0x54: {  	s0 =	rddreg [dreg:$0x13]  }
0x55: {  	[tilespmem:s0], [sflag:$0x3] =	stream.indirect_vreg.gather [hbm4b:s4+s3], $0x80, v4, vm0, $0xb8;
	[tilespmem:$0x10080] =	vst v63  }
0x56: {  	s15 =	rddreg [dreg:$0x14]  }
0x57: {  	[tilespmem:s15], [sflag:$0x3] =	stream.indirect_vreg.gather [hbm4b:s1+s3], $0x80, v3, vm0, $0xb8;
	[tilespmem:$0x10080] =	vst v63  }
0x58: {  	s0 =	rddreg [dreg:$0x15]  }
0x59: {  	[tilespmem:s0], [sflag:$0x3] =	stream.indirect_vreg.gather [hbm4b:s4+s3], $0x80, v3, vm0, $0xb8;
	[tilespmem:$0x10080] =	vst v63  }
0x5a: {  	v3 =	vld [tilespmem:$0x30];
	_ =	sdelay $0x4  }
0x5b: {  	v59 =	vshll.u32 v3, $0x2  }
0x5c: {  	v3 =	vand.u32 $0x7, v3;
	v4 =	vand.u32 $0xFFFFFFE0, v59  }
0x5d: {  	v3 =	vor.u32 v3, v4  }
0x5e: {  	v4 =	vperm.xlane v3, v0;
	_ =	sdelay $0x1  }
0x5f: {  	v4 =	vadd.s32 v1, v4;
	_ =	sdelay $0x1  }
0x60: {  	v3 =	vperm.xlane v3, v2;
	_ =	sdelay $0x1  }
0x61: {  	v3 =	vadd.s32 v1, v3  }
0x62: {  	[tilespmem:s10], [sflag:$0x4] =	stream.indirect_vreg.gather [hbm4b:s1+s3], $0x80, v4, vm0, $0xb8;
	[tilespmem:$0x10080] =	vst v63  }
0x63: {  	s0 =	rddreg [dreg:$0x16]  }
0x64: {  	[tilespmem:s0], [sflag:$0x4] =	stream.indirect_vreg.gather [hbm4b:s4+s3], $0x80, v4, vm0, $0xb8;
	[tilespmem:$0x10080] =	vst v63  }
0x65: {  	s15 =	rddreg [dreg:$0x17]  }
0x66: {  	[tilespmem:s15], [sflag:$0x4] =	stream.indirect_vreg.gather [hbm4b:s1+s3], $0x80, v3, vm0, $0xb8;
	[tilespmem:$0x10080] =	vst v63  }
0x67: {  	s0 =	rddreg [dreg:$0x18]  }
0x68: {  	[tilespmem:s0], [sflag:$0x4] =	stream.indirect_vreg.gather [hbm4b:s4+s3], $0x80, v3, vm0, $0xb8;
	[tilespmem:$0x10080] =	vst v63  }
0x69: {  	v3 =	vld [tilespmem:$0x40];
	_ =	sdelay $0x4  }
0x6a: {  	v60 =	vshll.u32 v3, $0x2  }
0x6b: {  	v3 =	vand.u32 $0x7, v3;
	v4 =	vand.u32 $0xFFFFFFE0, v60  }
0x6c: {  	v3 =	vor.u32 v3, v4  }
0x6d: {  	v4 =	vperm.xlane v3, v0;
	_ =	sdelay $0x1  }
0x6e: {  	v4 =	vadd.s32 v1, v4;
	_ =	sdelay $0x1  }
0x6f: {  	v3 =	vperm.xlane v3, v2;
	_ =	sdelay $0x1  }
0x70: {  	v3 =	vadd.s32 v1, v3  }
0x71: {  	[tilespmem:s11], [sflag:$0x5] =	stream.indirect_vreg.gather [hbm4b:s1+s3], $0x80, v4, vm0, $0xb8;
	[tilespmem:$0x10080] =	vst v63  }
0x72: {  	s0 =	rddreg [dreg:$0x19]  }
0x73: {  	[tilespmem:s0], [sflag:$0x5] =	stream.indirect_vreg.gather [hbm4b:s4+s3], $0x80, v4, vm0, $0xb8;
	[tilespmem:$0x10080] =	vst v63  }
0x74: {  	s15 =	rddreg [dreg:$0x1a]  }
0x75: {  	[tilespmem:s15], [sflag:$0x5] =	stream.indirect_vreg.gather [hbm4b:s1+s3], $0x80, v3, vm0, $0xb8;
	[tilespmem:$0x10080] =	vst v63  }
0x76: {  	s0 =	rddreg [dreg:$0x1b]  }
0x77: {  	[tilespmem:s0], [sflag:$0x5] =	stream.indirect_vreg.gather [hbm4b:s4+s3], $0x80, v3, vm0, $0xb8;
	[tilespmem:$0x10080] =	vst v63  }
0x78: {  	v3 =	vld [tilespmem:$0x50];
	_ =	sdelay $0x4  }
0x79: {  	v61 =	vshll.u32 v3, $0x2  }
0x7a: {  	v3 =	vand.u32 $0x7, v3;
	v4 =	vand.u32 $0xFFFFFFE0, v61  }
0x7b: {  	v3 =	vor.u32 v3, v4  }
0x7c: {  	v4 =	vperm.xlane v3, v0;
	_ =	sdelay $0x1  }
0x7d: {  	v4 =	vadd.s32 v1, v4;
	_ =	sdelay $0x1  }
0x7e: {  	v3 =	vperm.xlane v3, v2;
	_ =	sdelay $0x1  }
0x7f: {  	v3 =	vadd.s32 v1, v3  }
0x80: {  	[tilespmem:s12], [sflag:$0x6] =	stream.indirect_vreg.gather [hbm4b:s1+s3], $0x80, v4, vm0, $0xb8;
	[tilespmem:$0x10080] =	vst v63  }
0x81: {  	s0 =	rddreg [dreg:$0x1c]  }
0x82: {  	[tilespmem:s0], [sflag:$0x6] =	stream.indirect_vreg.gather [hbm4b:s4+s3], $0x80, v4, vm0, $0xb8;
	[tilespmem:$0x10080] =	vst v63  }
0x83: {  	s15 =	rddreg [dreg:$0x1d]  }
0x84: {  	[tilespmem:s15], [sflag:$0x6] =	stream.indirect_vreg.gather [hbm4b:s1+s3], $0x80, v3, vm0, $0xb8;
	[tilespmem:$0x10080] =	vst v63  }
0x85: {  	s0 =	rddreg [dreg:$0x1e]  }
0x86: {  	[tilespmem:s0], [sflag:$0x6] =	stream.indirect_vreg.gather [hbm4b:s4+s3], $0x80, v3, vm0, $0xb8;
	[tilespmem:$0x10080] =	vst v63  }
0x87: {  	v3 =	vld [tilespmem:$0x60];
	_ =	sdelay $0x4  }
0x88: {  	v62 =	vshll.u32 v3, $0x2  }
0x89: {  	v3 =	vand.u32 $0x7, v3;
	v4 =	vand.u32 $0xFFFFFFE0, v62  }
0x8a: {  	v3 =	vor.u32 v3, v4  }
0x8b: {  	v4 =	vperm.xlane v3, v0;
	_ =	sdelay $0x1  }
0x8c: {  	v4 =	vadd.s32 v1, v4;
	_ =	sdelay $0x1  }
0x8d: {  	v3 =	vperm.xlane v3, v2;
	_ =	sdelay $0x1  }
0x8e: {  	s15 =	sld [smem:$0x7FA];
	v3 =	vadd.s32 v1, v3  }
0x8f: {  	[tilespmem:s13], [sflag:$0x7] =	stream.indirect_vreg.gather [hbm4b:s1+s3], $0x80, v4, vm0, $0xb8;
	[tilespmem:$0x10080] =	vst v63  }
0x90: {  	s0 =	rddreg [dreg:$0x1f]  }
0x91: {  	[tilespmem:s0], [sflag:$0x7] =	stream.indirect_vreg.gather [hbm4b:s4+s3], $0x80, v4, vm0, $0xb8;
	[tilespmem:$0x10080] =	vst v63  }
0x92: {  	s0 =	sld [smem:$0x7FB]  }
0x93: {  	[tilespmem:s15], [sflag:$0x7] =	stream.indirect_vreg.gather [hbm4b:s1+s3], $0x80, v3, vm0, $0xb8;
	[tilespmem:$0x10080] =	vst v63  }
0x94: {  	_ = 	snop  }
0x95: {  	[tilespmem:s0], [sflag:$0x7] =	stream.indirect_vreg.gather [hbm4b:s4+s3], $0x80, v3, vm0, $0xb8;
	[tilespmem:$0x10080] =	vst v63  }
0x96: {  	v3 =	vld [tilespmem:$0x70];
	_ =	sdelay $0x4  }
0x97: {  	v63 =	vshll.u32 v3, $0x2  }
0x98: {  	v3 =	vand.u32 $0x7, v3;
	v4 =	vand.u32 $0xFFFFFFE0, v63  }
0x99: {  	v3 =	vor.u32 v3, v4  }
0x9a: {  	v4 =	vperm.xlane v3, v0;
	_ =	sdelay $0x1  }
0x9b: {  	v4 =	vadd.s32 v1, v4;
	_ =	sdelay $0x1  }
0x9c: {  	v3 =	vperm.xlane v3, v2;
	_ =	sdelay $0x1  }
0x9d: {  	s0 =	sld [smem:$0x7FC];
	v3 =	vadd.s32 v1, v3  }
0x9e: {  	[tilespmem:s14], [sflag:$0x8] =	stream.indirect_vreg.gather [hbm4b:s1+s3], $0x80, v4, vm0, $0xb8;
	[tilespmem:$0x10080] =	vst v63  }
0x9f: {  	s15 =	sld [smem:$0x7FD]  }
0xa0: {  	[tilespmem:s0], [sflag:$0x8] =	stream.indirect_vreg.gather [hbm4b:s4+s3], $0x80, v4, vm0, $0xb8;
	[tilespmem:$0x10080] =	vst v63  }
0xa1: {  	_ = 	snop  }
0xa2: {  	[tilespmem:s15], [sflag:$0x8] =	stream.indirect_vreg.gather [hbm4b:s1+s3], $0x80, v3, vm0, $0xb8;
	[tilespmem:$0x10080] =	vst v63  }
0xa3: {  	s15 =	simm.s32 $0xF880  }
0xa4: {  	[tilespmem:s15], [sflag:$0x8] =	stream.indirect_vreg.gather [hbm4b:s4+s3], $0x80, v3, vm0, $0xb8;
	[tilespmem:$0x10080] =	vst v63  }
0xa5: {  	_ =	swait.ge [sflag:s16], $0x2000  }
0xa6: {  	[sflag:s16] =	ssyncset.done $0x0  }
0xa7: {  	s15 =	rddreg [dreg:$0x5];
	[sflag:s16] =	ssyncadd.s32 $0xFFFFE000  }
0xa8: {  	[hbm4b:s15+s3] =	stream.linear.scatter [tilespmem:s7], [sflag:$0x9], $0x2000, $0x38;
	[tilespmem:$0x10080] =	vst v63  }
0xa9: {  	_ =	swait.ge [sflag:s17], $0x2000  }
0xaa: {  	[sflag:s17] =	ssyncset.done $0x0  }
0xab: {  	s15 =	rddreg [dreg:$0x6];
	[sflag:s17] =	ssyncadd.s32 $0xFFFFE000  }
0xac: {  	[hbm4b:s15+s3] =	stream.linear.scatter [tilespmem:s8], [sflag:$0xA], $0x2000, $0x38;
	[tilespmem:$0x10080] =	vst v63  }
0xad: {  	_ =	swait.ge [sflag:s18], $0x2000  }
0xae: {  	[sflag:s18] =	ssyncset.done $0x0  }
0xaf: {  	s15 =	rddreg [dreg:$0x7];
	[sflag:s18] =	ssyncadd.s32 $0xFFFFE000  }
0xb0: {  	[hbm4b:s15+s3] =	stream.linear.scatter [tilespmem:s9], [sflag:$0xB], $0x2000, $0x38;
	[tilespmem:$0x10080] =	vst v63  }
0xb1: {  	_ =	swait.ge [sflag:s19], $0x2000  }
0xb2: {  	[sflag:s19] =	ssyncset.done $0x0  }
0xb3: {  	s15 =	rddreg [dreg:$0x8];
	[sflag:s19] =	ssyncadd.s32 $0xFFFFE000  }
0xb4: {  	[hbm4b:s15+s3] =	stream.linear.scatter [tilespmem:s10], [sflag:$0xC], $0x2000, $0x38;
	[tilespmem:$0x10080] =	vst v63  }
0xb5: {  	_ =	swait.ge [sflag:s20], $0x2000  }
0xb6: {  	[sflag:s20] =	ssyncset.done $0x0  }
0xb7: {  	s15 =	rddreg [dreg:$0x9];
	[sflag:s20] =	ssyncadd.s32 $0xFFFFE000  }
0xb8: {  	[hbm4b:s15+s3] =	stream.linear.scatter [tilespmem:s11], [sflag:$0xD], $0x2000, $0x38;
	[tilespmem:$0x10080] =	vst v63  }
0xb9: {  	_ =	swait.ge [sflag:s21], $0x2000  }
0xba: {  	[sflag:s21] =	ssyncset.done $0x0  }
0xbb: {  	s15 =	rddreg [dreg:$0xa];
	[sflag:s21] =	ssyncadd.s32 $0xFFFFE000  }
0xbc: {  	[hbm4b:s15+s3] =	stream.linear.scatter [tilespmem:s12], [sflag:$0xE], $0x2000, $0x38;
	[tilespmem:$0x10080] =	vst v63  }
0xbd: {  	_ =	swait.ge [sflag:s22], $0x2000  }
0xbe: {  	[sflag:s22] =	ssyncset.done $0x0  }
0xbf: {  	s15 =	rddreg [dreg:$0xb];
	[sflag:s22] =	ssyncadd.s32 $0xFFFFE000  }
0xc0: {  	[hbm4b:s15+s3] =	stream.linear.scatter [tilespmem:s13], [sflag:$0xF], $0x2000, $0x38;
	[tilespmem:$0x10080] =	vst v63  }
0xc1: {  	_ =	swait.ge [sflag:s23], $0x2000  }
0xc2: {  	[sflag:s23] =	ssyncset.done $0x0  }
0xc3: {  	s15 =	rddreg [dreg:$0xc];
	[sflag:s23] =	ssyncadd.s32 $0xFFFFE000  }
0xc4: {  	[hbm4b:s15+s3] =	stream.linear.scatter [tilespmem:s14], [sflag:$0x10], $0x2000, $0x38;
	[tilespmem:$0x10080] =	vst v63  }
0xc5: {  	_ =	swait.ge [sflag:s24], $0x2000  }
0xc6: {  	[sflag:s24] =	ssyncset.done $0x0  }
0xc7: {  	[sflag:s24] =	ssyncadd.s32 $0xFFFFE000  }
0xc8: {  	_ =	swait.ge [sflag:s25], $0x2000  }
0xc9: {  	[sflag:s25] =	ssyncset.done $0x0  }
0xca: {  	[sflag:s25] =	ssyncadd.s32 $0xFFFFE000  }
0xcb: {  	_ =	swait.ge [sflag:s26], $0x2000  }
0xcc: {  	[sflag:s26] =	ssyncset.done $0x0  }
0xcd: {  	[sflag:s26] =	ssyncadd.s32 $0xFFFFE000  }
0xce: {  	_ =	swait.ge [sflag:s28], $0x2000  }
0xcf: {  	[sflag:s28] =	ssyncset.done $0x0  }
0xd0: {  	[sflag:s28] =	ssyncadd.s32 $0xFFFFE000  }
0xd1: {  	_ =	swait.ge [sflag:s29], $0x2000  }
0xd2: {  	[sflag:s29] =	ssyncset.done $0x0  }
0xd3: {  	[sflag:s29] =	ssyncadd.s32 $0xFFFFE000  }
0xd4: {  	_ =	swait.ge [sflag:s30], $0x2000  }
0xd5: {  	[sflag:s30] =	ssyncset.done $0x0  }
0xd6: {  	[sflag:s30] =	ssyncadd.s32 $0xFFFFE000  }
0xd7: {  	p0 =	sne.s32 s5, $0x1;
	_ =	swait.ge [sflag:s31], $0x2000  }
.Ltmp0:
0xd8: {  	[sflag:s31] =	ssyncset.done $0x0;
	(pc) =	sbr.rel @p0 .LBB2_1-.Ltmp0, $4  }
0xd9: {  	[sflag:s31] =	ssyncadd.s32 $0xFFFFE000  }
0xda: {  	_ =	swait.ge [sflag:s2], $0x2000  }
0xdb: {  	[sflag:s2] =	ssyncset.done $0x0  }
0xdc: {  	s5 =	sadd.s32 $0xFFFFFFFF, s5;
	[sflag:s2] =	ssyncadd.s32 $0xFFFFE000  }
0xdd: {  	_ =	sfence.sel $0x180000  }
0xde: {  	[bflag:$0x0] =	sbarrier.arrive $0xFFFF  }
0xdf: {  	_ =	strace $0x90000047  }
0xe0: {  	s0 =	stileid.u32;
	[bflag:$0x2] =	sbarrier.arrive $0xFFFF  }
0xe1: {  	p0 =	sne.s32 s0, $0x0;
	s0 =	rddreg [dreg:$0x3]  }
0xe2: {  	s0 =	sadd.s32 @!p0 $0x100000, s0  }
0xe3: {  	[sflag:s0] =	ssyncadd.tile.s32 @!p0 $0x1;
	_ =	shalt  }
.Lfunc_end2:
_tile_overlayer_lowered:
.L_overlay_start_2:
0xe4: {  	(tag) =	ssettag $0x2  }
0xe5: {  	s0 =	rddreg [dreg:$0x0];
	s2 =	stileid.u32  }
0xe6: {  	s1 =	rddreg [dreg:$0x1];
	p0 =	sne.s32 s2, $0x0  }
0xe7: {  	s3 =	rddreg [dreg:$0x2];
	[bflag:$0x3] =	sbarrier.arrive $0xFFFF;
	s2 =	simm.s32 @!p0 $0x1C11  }
0xe8: {  	[timem:s3], [sflag:s2] =	dma.local @!p0 [hbm:s0], s1  }
0xe9: {  	s0 =	simm.s32 @!p0 $0x11  }
0xea: {  	_ =	swait.ge @!p0 [sflag:s0], s1  }
0xeb: {  	s1 =	ssub.s32 @!p0 $0x0, s1;
	[sflag:s0] =	ssyncset.done @!p0 $0x0  }
0xec: {  	[sflag:s0] =	ssyncadd.s32 @!p0 s1  }
0xed: {  	[bflag:$0x3] =	sbarrier.arrive $0xFFFF  }
0xee: {  	_ =	shalt  }

</sc_bundles>
